<compile_context>
chip_gen: v7x
topology: tpu7x:2x2x1
jax: 0.10.2.dev20260603
libtpu: 0.0.44.dev20260713+nightly
codegen_flags: <defaults>
</compile_context>

<pallas_src>
import jax
import jax.numpy as jnp
from jax import lax
from jax.experimental import pallas as pl
from jax.experimental.pallas import tpu as pltpu
from jax.experimental.pallas import tpu_sc as plsc

NC = 2
NS = 16
L = 16
NW = NC * NS
CHG = 25600
G = 32
WSL = 6256


def _sc_edge_filter(si_hbm, ei_hbm, attr_hbm, w_hbm,
                    si_v, ei_v0, ei_v1, attr_blk, zeros_v, idx_v, wv_v, w_sh,
                    sem0, sem1, semg):
    E = ei_hbm.shape[1]
    n_nodes = w_hbm.shape[0] // NC
    nch = E // CHG
    maxk = (nch + NW - 1) // NW
    ng = CHG // (G * L)

    cid = lax.axis_index("c")
    sid = lax.axis_index("s")
    wid = sid * NC + cid

    pltpu.sync_copy(si_hbm, si_v)
    si_vec = si_v[...]

    bufs = (ei_v0, ei_v1)
    sems = (sem0, sem1)

    c0 = wid
    c1 = wid + NW

    @pl.when(c0 < nch)
    def _():
        pltpu.async_copy(ei_hbm.at[:, pl.ds(c0 * CHG, CHG)], bufs[0], sems[0])

    @pl.when(c1 < nch)
    def _():
        pltpu.async_copy(ei_hbm.at[:, pl.ds(c1 * CHG, CHG)], bufs[1], sems[1])

    def zero_body(i, _):
        zeros_v[pl.ds(i * L, L)] = jnp.zeros((L,), jnp.float32)
        return 0
    lax.fori_loop(0, WSL // L, zero_body, 0)
    wbase = sid * WSL
    last = n_nodes - 15 * WSL

    @pl.when(sid < NS - 1)
    def _():
        pltpu.sync_copy(zeros_v, w_sh.at[pl.ds(wbase, WSL)])

    @pl.when(sid == NS - 1)
    def _():
        pltpu.sync_copy(zeros_v.at[pl.ds(0, last)], w_sh.at[pl.ds(wbase, last)])

    plsc.subcore_barrier()

    def process_chunk(ci, buf):
        def group_body(g, _):
            gbase = g * (G * L)
            hitm = buf[1, pl.ds(gbase, L)] == si_vec
            for v in range(1, G):
                dvec = buf[1, pl.ds(gbase + v * L, L)]
                hitm = hitm | (dvec == si_vec)

            @pl.when(jnp.sum(jnp.where(hitm, 1, 0)) > 0)
            def _():
                def match_body(v, _):
                    voff = gbase + v * L
                    dvec = buf[1, pl.ds(voff, L)]
                    mask = dvec == si_vec
                    nm = jnp.sum(jnp.where(mask, 1, 0))

                    @pl.when(nm > 0)
                    def _():
                        eoff = ci * CHG + voff
                        arow = eoff // 128
                        acol = lax.rem(eoff, 128)
                        arowa = (arow // 8) * 8
                        pltpu.async_copy(
                            attr_hbm.at[pl.ds(arowa, 8)], attr_blk, semg).wait()
                        avec = plsc.load_gather(
                            attr_blk,
                            [jnp.full((L,), arow - arowa, jnp.int32),
                             acol + lax.iota(jnp.int32, L)])
                        wv = jnp.where(mask, avec, 0.0)
                        idx_v[...] = buf[0, pl.ds(voff, L)]
                        wv_v[...] = wv
                        pltpu.sync_copy(wv_v, w_sh.at[idx_v], add=True)

                    return 0

                lax.fori_loop(0, G, match_body, 0)

            return 0

        lax.fori_loop(0, ng, group_body, 0)

    def ring_body(kk, _):
        for ph in range(2):
            c = wid + (2 * kk + ph) * NW

            @pl.when(c < nch)
            def _(c=c, ph=ph):
                pltpu.make_async_copy(
                    ei_hbm.at[:, pl.ds(c * CHG, CHG)],
                    bufs[ph], sems[ph]).wait()
                process_chunk(c, bufs[ph])
                cn = c + 2 * NW

                @pl.when(cn < nch)
                def _():
                    pltpu.async_copy(ei_hbm.at[:, pl.ds(cn * CHG, CHG)],
                                     bufs[ph], sems[ph])

        return 0

    lax.fori_loop(0, (maxk + 1) // 2, ring_body, 0)

    plsc.subcore_barrier()

    @pl.when(sid < NS - 1)
    def _():
        pltpu.sync_copy(w_sh.at[pl.ds(wbase, WSL)], zeros_v)
        pltpu.sync_copy(zeros_v,
                        w_hbm.at[pl.ds(cid * n_nodes + wbase, WSL)])

    @pl.when(sid == NS - 1)
    def _():
        pltpu.sync_copy(w_sh.at[pl.ds(wbase, last)], zeros_v.at[pl.ds(0, last)])
        pltpu.sync_copy(zeros_v.at[pl.ds(0, last)],
                        w_hbm.at[pl.ds(cid * n_nodes + wbase, last)])


def _sc_call(si_vec, ei, attr2, n_nodes):
    mesh = plsc.VectorSubcoreMesh(
        core_axis_name="c", subcore_axis_name="s", num_cores=NC, num_subcores=NS)
    return pl.kernel(
        _sc_edge_filter,
        out_type=jax.ShapeDtypeStruct((NC * n_nodes,), jnp.float32),
        mesh=mesh,
        compiler_params=pltpu.CompilerParams(needs_layout_passes=False),
        scratch_types=(
            pltpu.VMEM((L,), jnp.int32),
            pltpu.VMEM((2, CHG), jnp.int32),
            pltpu.VMEM((2, CHG), jnp.int32),
            pltpu.VMEM((8, 128), jnp.float32),
            pltpu.VMEM((WSL,), jnp.float32),
            pltpu.VMEM((L,), jnp.int32),
            pltpu.VMEM((L,), jnp.float32),
            pltpu.VMEM_SHARED((100000,), jnp.float32),
            pltpu.SemaphoreType.DMA,
            pltpu.SemaphoreType.DMA,
            pltpu.SemaphoreType.DMA,
        ),
    )(si_vec, ei, attr2)


def _tc_all(si_ref, w_ref, xT_ref, h0, c0, Wn, Ws, bg, WihT, WhhT, bsum,
            W1T, b1, W2T, b2, xo_out, h_out, c_out):
    si = si_ref[0, 0]
    n = xT_ref.shape[1]
    pos = lax.broadcasted_iota(jnp.int32, (1, n), 1)
    oh = jnp.where(pos == si, 1.0, 0.0)
    m = jnp.concatenate([w_ref[...], oh], axis=0)
    a = lax.dot_general(
        m, xT_ref[...], (((1,), (1,)), ((), ())),
        precision=jax.lax.Precision.HIGHEST,
        preferred_element_type=jnp.float32)
    dotn = lambda a, b: lax.dot_general(
        a, b, (((1,), (0,)), ((), ())),
        preferred_element_type=jnp.float32)
    dott = lambda a, b: lax.dot_general(
        a, b, (((1,), (1,)), ((), ())),
        preferred_element_type=jnp.float32)
    agg = a[0:1, :] + a[1:2, :]
    xsi = a[2:3, :]
    xg = dotn(agg, Wn[...]) + dotn(xsi, Ws[...]) + bg[...]
    xg = jnp.maximum(xg, 0.0)
    gates = dotn(xg, WihT[...]) + dotn(h0[...], WhhT[...]) + bsum[...]
    i = jax.nn.sigmoid(gates[:, 0:64])
    f = jax.nn.sigmoid(gates[:, 64:128])
    g = jnp.tanh(gates[:, 128:192])
    o = jax.nn.sigmoid(gates[:, 192:256])
    c1 = f * c0[...] + i * g
    h1 = o * jnp.tanh(c1)
    xcat = jnp.concatenate([xg, h1], axis=1)
    xo = dott(xcat, W1T[...]) + b1[...]
    xo_out[...] = dott(xo, W2T[...]) + b2[...]
    h_out[...] = h1
    c_out[...] = c1


def kernel(x, edge_index, edge_attr, h, c, state_index,
           W_neigh, W_self, b_gnn, W_ih, W_hh, b_ih, b_hh, W1, b1, W2, b2):
    n, nf = x.shape
    E = edge_index.shape[1]
    H = W_neigh.shape[1]

    si = jnp.asarray(state_index, jnp.int32)
    si_vec = jnp.full((L,), si, jnp.int32)
    attr2 = edge_attr.reshape(E // 128, 128)

    wparts = _sc_call(si_vec, edge_index, attr2, n).reshape(NC, n)

    smem_spec = pl.BlockSpec(memory_space=pltpu.SMEM)
    xo, h1, c1 = pl.pallas_call(
        _tc_all,
        in_specs=[smem_spec] + [pl.BlockSpec()] * 14,
        out_shape=(
            jax.ShapeDtypeStruct((1, 4), jnp.float32),
            jax.ShapeDtypeStruct((1, H), jnp.float32),
            jax.ShapeDtypeStruct((1, H), jnp.float32),
        ),
    )(si.reshape(1, 1), wparts, x.T,
      h.reshape(1, H), c.reshape(1, H),
      W_neigh, W_self, b_gnn.reshape(1, H), W_ih.T, W_hh.T,
      (b_ih + b_hh).reshape(1, 4 * H), W1.T, b1.reshape(1, -1),
      W2.T, b2.reshape(1, -1))

    return (xo, h1.reshape(1, 1, H), c1.reshape(1, 1, H))

# --- scband reference (transcript-rebuilt; emitter-appended) ---
"""Pipeline reference for scband-rnn-1477468750564 (READ-ONLY COPY).

The authoritative reference and input builder live on the scoring server;
editing this copy changes nothing except your own understanding.
"""

import jax, jax.numpy as jnp
import numpy as np

N = 100000
E = 3200000
NF = 16
DIM = 32
H = 2 * DIM  # 64, skip_connection=False path
OUT = 4


def _glorot(k, shape):
    lim = float(np.sqrt(6.0 / (shape[0] + shape[1])))
    return jax.random.uniform(k, shape, jnp.float32, -lim, lim)


def setup_inputs(seed: int = 0) -> dict:
    key = jax.random.key(seed)
    ks = jax.random.split(key, 12)
    x = jax.random.normal(ks[0], (N, NF), dtype=jnp.float32)
    edge_index = jax.random.randint(ks[1], (2, E), 0, N)  # int32; int64 needs x64 mode
    edge_attr = jax.random.uniform(ks[2], (E, 1), dtype=jnp.float32)
    h = jnp.zeros((1, 1, H), jnp.float32)
    c = jnp.zeros((1, 1, H), jnp.float32)
    state_index = 1234
    # WeightedSAGEConv(node_features, dim*2) params
    W_neigh = _glorot(ks[3], (NF, H))
    W_self = _glorot(ks[4], (NF, H))
    b_gnn = jnp.zeros((H,), jnp.float32)
    # LSTM(dim*2, dim*2) params (PyTorch gate order i,f,g,o)
    s = float(1.0 / np.sqrt(H))
    W_ih = jax.random.uniform(ks[5], (4 * H, H), jnp.float32, -s, s)
    W_hh = jax.random.uniform(ks[6], (4 * H, H), jnp.float32, -s, s)
    b_ih = jax.random.uniform(ks[7], (4 * H,), jnp.float32, -s, s)
    b_hh = jax.random.uniform(ks[8], (4 * H,), jnp.float32, -s, s)
    # lin1: Linear(4*dim, dim); lin2: Linear(dim, output)
    W1 = _glorot(ks[9], (4 * DIM, DIM))
    b1 = jnp.zeros((DIM,), jnp.float32)
    W2 = _glorot(ks[10], (DIM, OUT))
    b2 = jnp.zeros((OUT,), jnp.float32)
    return {"x": x, "edge_index": edge_index, "edge_attr": edge_attr, "h": h, "c": c,
            "state_index": state_index, "W_neigh": W_neigh, "W_self": W_self, "b_gnn": b_gnn,
            "W_ih": W_ih, "W_hh": W_hh, "b_ih": b_ih, "b_hh": b_hh,
            "W1": W1, "b1": b1, "W2": W2, "b2": b2}


def reference(x, edge_index, edge_attr, h, c, state_index,
              W_neigh, W_self, b_gnn, W_ih, W_hh, b_ih, b_hh, W1, b1, W2, b2):
    n = x.shape[0]
    src = edge_index[0]
    dst = edge_index[1]
    # WeightedSAGEConv: gather src features, scale by edge weight, scatter-add to dst
    msg = x[src] * edge_attr
    agg = jax.ops.segment_sum(msg, dst, num_segments=n)
    xg = agg @ W_neigh + x @ W_self + b_gnn
    xg = jax.nn.relu(xg)
    # state_representation = x[state_index], unsqueeze twice -> [1,1,H]
    sr = xg[state_index][None, None, :]
    # single LSTM step (rnn_depth=1), h/c: [1,1,H]
    inp = sr[0, 0]
    h0 = h[0, 0]
    c0 = c[0, 0]
    gates = inp @ W_ih.T + b_ih + h0 @ W_hh.T + b_hh
    i, f, g, o = jnp.split(gates, 4)
    i = jax.nn.sigmoid(i)
    f = jax.nn.sigmoid(f)
    g = jnp.tanh(g)
    o = jax.nn.sigmoid(o)
    c1 = f * c0 + i * g
    h1 = o * jnp.tanh(c1)
    h_new = h1[None, None, :]
    c_new = c1[None, None, :]
    # cat along dim 2 -> [1,1,4*dim]; gnn_2 is None; squeeze dim 1 -> [1,4*dim]
    xcat = jnp.concatenate([sr, h_new], axis=2)
    xo = xcat[:, 0, :]
    xo = xo @ W1 + b1
    xo = xo @ W2 + b2
    return (xo, h_new, c_new)

if __name__ == "__main__":
    import jax
    _d = setup_inputs()
    print(jax.jit(kernel)(*tuple(_d.values())))

</pallas_src>

<mosaic_0001>
#map = affine_map<(d0, d1) -> (0)>
#map1 = affine_map<(d0, d1) -> (0, 0)>
module attributes {stable_mosaic.version = 14 : i64} {
  func.func @_sc_edge_filter(%arg0: i32, %arg1: i32, %arg2: memref<16xi32, #tpu.memory_space<hbm>>, %arg3: memref<2x3200000xi32, #tpu.memory_space<hbm>>, %arg4: memref<25000x128xf32, #tpu.memory_space<hbm>>, %arg5: memref<200000xf32, #tpu.memory_space<hbm>>, %arg6: memref<16xi32, #tpu.memory_space<vmem>>, %arg7: memref<2x25600xi32, #tpu.memory_space<vmem>>, %arg8: memref<2x25600xi32, #tpu.memory_space<vmem>>, %arg9: memref<8x128xf32, #tpu.memory_space<vmem>>, %arg10: memref<6256xf32, #tpu.memory_space<vmem>>, %arg11: memref<16xi32, #tpu.memory_space<vmem>>, %arg12: memref<16xf32, #tpu.memory_space<vmem>>, %arg13: memref<100000xf32, #tpu.memory_space<vmem_shared>>, %arg14: memref<!tpu.dma_semaphore, #tpu.memory_space<semaphore_mem>>, %arg15: memref<!tpu.dma_semaphore, #tpu.memory_space<semaphore_mem>>, %arg16: memref<!tpu.dma_semaphore, #tpu.memory_space<semaphore_mem>>) attributes {dimension_semantics = [#tpu.dimension_semantics<core_parallel>, #tpu.dimension_semantics<subcore_parallel>], iteration_bounds = array<i64: 2, 16>, scalar_prefetch = 0 : i64, scratch_operands = 11 : i64, tpu.core_type = #tpu.core_type<sc_vector_subcore>, window_params = [{transform_indices = #map}, {transform_indices = #map1}, {transform_indices = #map1}, {transform_indices = #map}]} {
    %mul3A = arith.constant 2 : i32
    %mul3A_0 = arith.muli %arg1, %mul3A : i32
    %add3A = arith.addi %mul3A_0, %arg0 : i32
    "tpu.region"() ({
      %run_scoped3A = tpu.sem_alloc : memref<!tpu.dma_semaphore, #tpu.memory_space<semaphore_mem>>
      tpu.enqueue_dma source(%arg2 : memref<16xi32, #tpu.memory_space<hbm>>) target(%arg6 : memref<16xi32, #tpu.memory_space<vmem>>) target_semaphore(%run_scoped3A : memref<!tpu.dma_semaphore, #tpu.memory_space<semaphore_mem>>)
      tpu.wait_dma2 semaphore(%run_scoped3A : memref<!tpu.dma_semaphore, #tpu.memory_space<semaphore_mem>>) src(%arg2 : memref<16xi32, #tpu.memory_space<hbm>>) dst(%arg6 : memref<16xi32, #tpu.memory_space<vmem>>)
      tpu.yield
    }) : () -> ()
    %get3A = arith.constant 0 : index
    %get3A_1 = tpu.vector_load %arg6[%get3A] {strides = array<i32>} : memref<16xi32, #tpu.memory_space<vmem>>, vector<16xi32>,
    %add3A_2 = arith.constant 32 : i32
    %add3A_3 = arith.addi %add3A, %add3A_2 : i32
    %lt3A = arith.constant 125 : i32
    %lt3A_4 = arith.cmpi slt, %add3A, %lt3A : i32
    %convert_element_type3A = arith.extui %lt3A_4 : i1 to i32
    %cond3A = arith.constant 0 : i32
    %cond3A_5 = arith.cmpi ne, %convert_element_type3A, %cond3A : i32
    scf.if %cond3A_5 {
      %mul3A_46 = arith.constant 25600 : i32
      %mul3A_47 = arith.muli %add3A, %mul3A_46 : i32
      %dma_start3A = arith.constant 0 : i32
      %dma_start3A_48 = tpu.memref_slice %arg3[%dma_start3A, %mul3A_47] : memref<2x3200000xi32, #tpu.memory_space<hbm>> -> memref<2x25600xi32, #tpu.memory_space<hbm>>
      %dma_start3A_49 = arith.constant 0 : i32
      %dma_start3A_50 = tpu.memref_slice %arg3[%dma_start3A_49, %mul3A_47] : memref<2x3200000xi32, #tpu.memory_space<hbm>> -> memref<2x25600xi32, #tpu.memory_space<hbm>>
      tpu.enqueue_dma source(%dma_start3A_50 : memref<2x25600xi32, #tpu.memory_space<hbm>>) target(%arg7 : memref<2x25600xi32, #tpu.memory_space<vmem>>) target_semaphore(%arg14 : memref<!tpu.dma_semaphore, #tpu.memory_space<semaphore_mem>>)
    } else {
    }
    %lt3A_6 = arith.constant 125 : i32
    %lt3A_7 = arith.cmpi slt, %add3A_3, %lt3A_6 : i32
    %convert_element_type3A_8 = arith.extui %lt3A_7 : i1 to i32
    %cond3A_9 = arith.constant 0 : i32
    %cond3A_10 = arith.cmpi ne, %convert_element_type3A_8, %cond3A_9 : i32
    scf.if %cond3A_10 {
      %mul3A_46 = arith.constant 25600 : i32
      %mul3A_47 = arith.muli %add3A_3, %mul3A_46 : i32
      %dma_start3A = arith.constant 0 : i32
      %dma_start3A_48 = tpu.memref_slice %arg3[%dma_start3A, %mul3A_47] : memref<2x3200000xi32, #tpu.memory_space<hbm>> -> memref<2x25600xi32, #tpu.memory_space<hbm>>
      %dma_start3A_49 = arith.constant 0 : i32
      %dma_start3A_50 = tpu.memref_slice %arg3[%dma_start3A_49, %mul3A_47] : memref<2x3200000xi32, #tpu.memory_space<hbm>> -> memref<2x25600xi32, #tpu.memory_space<hbm>>
      tpu.enqueue_dma source(%dma_start3A_50 : memref<2x25600xi32, #tpu.memory_space<hbm>>) target(%arg8 : memref<2x25600xi32, #tpu.memory_space<vmem>>) target_semaphore(%arg15 : memref<!tpu.dma_semaphore, #tpu.memory_space<semaphore_mem>>)
    } else {
    }
    %scan3A = arith.constant 0 : i32
    %scan3A_11 = arith.constant 0 : i32
    %scan3A_12 = arith.constant 391 : i32
    %scan3A_13 = arith.addi %scan3A_11, %scan3A_12 : i32
    %scan3A_14 = arith.constant 1 : i32
    %scan3A_15 = scf.for %scan3A_46 = %scan3A_11 to %scan3A_13 step %scan3A_14 iter_args(%scan3A_47 = %scan3A) -> (i32)  : i32 {
      %broadcast_in_dim3A = arith.constant 0.000000e+00 : f32
      %broadcast_in_dim3A_48 = vector.broadcast %broadcast_in_dim3A : f32 to vector<16xf32>
      %mul3A_49 = arith.constant 16 : i32
      %mul3A_50 = arith.muli %scan3A_46, %mul3A_49 : i32
      %swap3A = arith.index_cast %mul3A_50 : i32 to index
      %swap3A_51 = tpu.vector_load %arg10[%swap3A] {strides = array<i32>} : memref<6256xf32, #tpu.memory_space<vmem>>, vector<16xf32>,
      tpu.vector_store %arg10[%swap3A], %broadcast_in_dim3A_48 {strides = array<i32>} : memref<6256xf32, #tpu.memory_space<vmem>>, vector<16xf32>,
      %scan3A_52 = arith.constant 0 : i32
      scf.yield %scan3A_52 : i32
    }
    %scan3A_16 = arith.constant 391 : i32
    %mul3A_17 = arith.constant 6256 : i32
    %mul3A_18 = arith.muli %arg1, %mul3A_17 : i32
    %lt3A_19 = arith.constant 15 : i32
    %lt3A_20 = arith.cmpi slt, %arg1, %lt3A_19 : i32
    %convert_element_type3A_21 = arith.extui %lt3A_20 : i1 to i32
    %cond3A_22 = arith.constant 0 : i32
    %cond3A_23 = arith.cmpi ne, %convert_element_type3A_21, %cond3A_22 : i32
    scf.if %cond3A_23 {
      "tpu.region"() ({
        %run_scoped3A = tpu.sem_alloc : memref<!tpu.dma_semaphore, #tpu.memory_space<semaphore_mem>>
        %dma_start3A = tpu.memref_slice %arg13[%mul3A_18] : memref<100000xf32, #tpu.memory_space<vmem_shared>> -> memref<6256xf32, #tpu.memory_space<vmem_shared>>
        %dma_start3A_46 = tpu.memref_slice %arg13[%mul3A_18] : memref<100000xf32, #tpu.memory_space<vmem_shared>> -> memref<6256xf32, #tpu.memory_space<vmem_shared>>
        tpu.enqueue_dma source(%arg10 : memref<6256xf32, #tpu.memory_space<vmem>>) target(%dma_start3A_46 : memref<6256xf32, #tpu.memory_space<vmem_shared>>) target_semaphore(%run_scoped3A : memref<!tpu.dma_semaphore, #tpu.memory_space<semaphore_mem>>)
        %dma_wait3A = tpu.memref_slice %arg13[%mul3A_18] : memref<100000xf32, #tpu.memory_space<vmem_shared>> -> memref<6256xf32, #tpu.memory_space<vmem_shared>>
        %dma_wait3A_47 = tpu.memref_slice %arg13[%mul3A_18] : memref<100000xf32, #tpu.memory_space<vmem_shared>> -> memref<6256xf32, #tpu.memory_space<vmem_shared>>
        tpu.wait_dma2 semaphore(%run_scoped3A : memref<!tpu.dma_semaphore, #tpu.memory_space<semaphore_mem>>) src(%arg10 : memref<6256xf32, #tpu.memory_space<vmem>>) dst(%dma_wait3A_47 : memref<6256xf32, #tpu.memory_space<vmem_shared>>)
        tpu.yield
      }) : () -> ()
    } else {
    }
    %eq3A = arith.constant 15 : i32
    %eq3A_24 = arith.cmpi eq, %arg1, %eq3A : i32
    %convert_element_type3A_25 = arith.extui %eq3A_24 : i1 to i32
    %cond3A_26 = arith.constant 0 : i32
    %cond3A_27 = arith.cmpi ne, %convert_element_type3A_25, %cond3A_26 : i32
    scf.if %cond3A_27 {
      "tpu.region"() ({
        %run_scoped3A = tpu.sem_alloc : memref<!tpu.dma_semaphore, #tpu.memory_space<semaphore_mem>>
        %dma_start3A = arith.constant 0 : i32
        %dma_start3A_46 = tpu.memref_slice %arg10[%dma_start3A] : memref<6256xf32, #tpu.memory_space<vmem>> -> memref<6160xf32, #tpu.memory_space<vmem>>
        %dma_start3A_47 = tpu.memref_slice %arg13[%mul3A_18] : memref<100000xf32, #tpu.memory_space<vmem_shared>> -> memref<6160xf32, #tpu.memory_space<vmem_shared>>
        %dma_start3A_48 = tpu.memref_slice %arg13[%mul3A_18] : memref<100000xf32, #tpu.memory_space<vmem_shared>> -> memref<6160xf32, #tpu.memory_space<vmem_shared>>
        %dma_start3A_49 = arith.constant 0 : i32
        %dma_start3A_50 = tpu.memref_slice %arg10[%dma_start3A_49] : memref<6256xf32, #tpu.memory_space<vmem>> -> memref<6160xf32, #tpu.memory_space<vmem>>
        tpu.enqueue_dma source(%dma_start3A_50 : memref<6160xf32, #tpu.memory_space<vmem>>) target(%dma_start3A_48 : memref<6160xf32, #tpu.memory_space<vmem_shared>>) target_semaphore(%run_scoped3A : memref<!tpu.dma_semaphore, #tpu.memory_space<semaphore_mem>>)
        %dma_wait3A = arith.constant 0 : i32
        %dma_wait3A_51 = tpu.memref_slice %arg10[%dma_wait3A] : memref<6256xf32, #tpu.memory_space<vmem>> -> memref<6160xf32, #tpu.memory_space<vmem>>
        %dma_wait3A_52 = tpu.memref_slice %arg13[%mul3A_18] : memref<100000xf32, #tpu.memory_space<vmem_shared>> -> memref<6160xf32, #tpu.memory_space<vmem_shared>>
        %dma_wait3A_53 = tpu.memref_slice %arg13[%mul3A_18] : memref<100000xf32, #tpu.memory_space<vmem_shared>> -> memref<6160xf32, #tpu.memory_space<vmem_shared>>
        %dma_wait3A_54 = arith.constant 0 : i32
        %dma_wait3A_55 = tpu.memref_slice %arg10[%dma_wait3A_54] : memref<6256xf32, #tpu.memory_space<vmem>> -> memref<6160xf32, #tpu.memory_space<vmem>>
        tpu.wait_dma2 semaphore(%run_scoped3A : memref<!tpu.dma_semaphore, #tpu.memory_space<semaphore_mem>>) src(%dma_wait3A_55 : memref<6160xf32, #tpu.memory_space<vmem>>) dst(%dma_wait3A_53 : memref<6160xf32, #tpu.memory_space<vmem_shared>>)
        tpu.yield
      }) : () -> ()
    } else {
    }
    %barrier3A = arith.constant 0 : index
    tpu.barrier barrier_id(%barrier3A)
    %scan3A_28 = arith.constant 0 : i32
    %scan3A_29 = arith.constant 0 : i32
    %scan3A_30 = arith.constant 2 : i32
    %scan3A_31 = arith.addi %scan3A_29, %scan3A_30 : i32
    %scan3A_32 = arith.constant 1 : i32
    %scan3A_33 = scf.for %scan3A_46 = %scan3A_29 to %scan3A_31 step %scan3A_32 iter_args(%scan3A_47 = %scan3A_28) -> (i32)  : i32 {
      %mul3A_48 = arith.constant 2 : i32
      %mul3A_49 = arith.muli %mul3A_48, %scan3A_46 : i32
      %add3A_50 = arith.constant 0 : i32
      %add3A_51 = arith.addi %mul3A_49, %add3A_50 : i32
      %mul3A_52 = arith.constant 32 : i32
      %mul3A_53 = arith.muli %add3A_51, %mul3A_52 : i32
      %add3A_54 = arith.addi %add3A, %mul3A_53 : i32
      %lt3A_55 = arith.constant 125 : i32
      %lt3A_56 = arith.cmpi slt, %add3A_54, %lt3A_55 : i32
      %convert_element_type3A_57 = arith.extui %lt3A_56 : i1 to i32
      %cond3A_58 = arith.constant 0 : i32
      %cond3A_59 = arith.cmpi ne, %convert_element_type3A_57, %cond3A_58 : i32
      scf.if %cond3A_59 {
        %mul3A_73 = arith.constant 25600 : i32
        %mul3A_74 = arith.muli %add3A_54, %mul3A_73 : i32
        %dma_wait3A = arith.constant 0 : i32
        %dma_wait3A_75 = tpu.memref_slice %arg3[%dma_wait3A, %mul3A_74] : memref<2x3200000xi32, #tpu.memory_space<hbm>> -> memref<2x25600xi32, #tpu.memory_space<hbm>>
        %dma_wait3A_76 = arith.constant 0 : i32
        %dma_wait3A_77 = tpu.memref_slice %arg3[%dma_wait3A_76, %mul3A_74] : memref<2x3200000xi32, #tpu.memory_space<hbm>> -> memref<2x25600xi32, #tpu.memory_space<hbm>>
        tpu.wait_dma2 semaphore(%arg14 : memref<!tpu.dma_semaphore, #tpu.memory_space<semaphore_mem>>) src(%dma_wait3A_77 : memref<2x25600xi32, #tpu.memory_space<hbm>>) dst(%arg7 : memref<2x25600xi32, #tpu.memory_space<vmem>>)
        %scan3A_78 = arith.constant 0 : i32
        %scan3A_79 = arith.constant 0 : i32
        %scan3A_80 = arith.constant 50 : i32
        %scan3A_81 = arith.addi %scan3A_79, %scan3A_80 : i32
        %scan3A_82 = arith.constant 1 : i32
        %scan3A_83 = scf.for %scan3A_92 = %scan3A_79 to %scan3A_81 step %scan3A_82 iter_args(%scan3A_93 = %scan3A_78) -> (i32)  : i32 {
          %mul3A_94 = arith.constant 512 : i32
          %mul3A_95 = arith.muli %scan3A_92, %mul3A_94 : i32
          %get3A_96 = arith.constant 1 : i32
          %get3A_97 = arith.index_cast %get3A_96 : i32 to index
          %get3A_98 = arith.index_cast %mul3A_95 : i32 to index
          %get3A_99 = tpu.vector_load %arg7[%get3A_97, %get3A_98] {strides = array<i32>} : memref<2x25600xi32, #tpu.memory_space<vmem>>, vector<16xi32>,
          %eq3A_100 = arith.cmpi eq, %get3A_99, %get3A_1 : vector<16xi32>
          %add3A_101 = arith.constant 16 : i32
          %add3A_102 = arith.addi %mul3A_95, %add3A_101 : i32
          %get3A_103 = arith.constant 1 : i32
          %get3A_104 = arith.index_cast %get3A_103 : i32 to index
          %get3A_105 = arith.index_cast %add3A_102 : i32 to index
          %get3A_106 = tpu.vector_load %arg7[%get3A_104, %get3A_105] {strides = array<i32>} : memref<2x25600xi32, #tpu.memory_space<vmem>>, vector<16xi32>,
          %eq3A_107 = arith.cmpi eq, %get3A_106, %get3A_1 : vector<16xi32>
          %or3A = arith.ori %eq3A_100, %eq3A_107 : vector<16xi1>
          %add3A_108 = arith.constant 32 : i32
          %add3A_109 = arith.addi %mul3A_95, %add3A_108 : i32
          %get3A_110 = arith.constant 1 : i32
          %get3A_111 = arith.index_cast %get3A_110 : i32 to index
          %get3A_112 = arith.index_cast %add3A_109 : i32 to index
          %get3A_113 = tpu.vector_load %arg7[%get3A_111, %get3A_112] {strides = array<i32>} : memref<2x25600xi32, #tpu.memory_space<vmem>>, vector<16xi32>,
          %eq3A_114 = arith.cmpi eq, %get3A_113, %get3A_1 : vector<16xi32>
          %or3A_115 = arith.ori %or3A, %eq3A_114 : vector<16xi1>
          %add3A_116 = arith.constant 48 : i32
          %add3A_117 = arith.addi %mul3A_95, %add3A_116 : i32
          %get3A_118 = arith.constant 1 : i32
          %get3A_119 = arith.index_cast %get3A_118 : i32 to index
          %get3A_120 = arith.index_cast %add3A_117 : i32 to index
          %get3A_121 = tpu.vector_load %arg7[%get3A_119, %get3A_120] {strides = array<i32>} : memref<2x25600xi32, #tpu.memory_space<vmem>>, vector<16xi32>,
          %eq3A_122 = arith.cmpi eq, %get3A_121, %get3A_1 : vector<16xi32>
          %or3A_123 = arith.ori %or3A_115, %eq3A_122 : vector<16xi1>
          %add3A_124 = arith.constant 64 : i32
          %add3A_125 = arith.addi %mul3A_95, %add3A_124 : i32
          %get3A_126 = arith.constant 1 : i32
          %get3A_127 = arith.index_cast %get3A_126 : i32 to index
          %get3A_128 = arith.index_cast %add3A_125 : i32 to index
          %get3A_129 = tpu.vector_load %arg7[%get3A_127, %get3A_128] {strides = array<i32>} : memref<2x25600xi32, #tpu.memory_space<vmem>>, vector<16xi32>,
          %eq3A_130 = arith.cmpi eq, %get3A_129, %get3A_1 : vector<16xi32>
          %or3A_131 = arith.ori %or3A_123, %eq3A_130 : vector<16xi1>
          %add3A_132 = arith.constant 80 : i32
          %add3A_133 = arith.addi %mul3A_95, %add3A_132 : i32
          %get3A_134 = arith.constant 1 : i32
          %get3A_135 = arith.index_cast %get3A_134 : i32 to index
          %get3A_136 = arith.index_cast %add3A_133 : i32 to index
          %get3A_137 = tpu.vector_load %arg7[%get3A_135, %get3A_136] {strides = array<i32>} : memref<2x25600xi32, #tpu.memory_space<vmem>>, vector<16xi32>,
          %eq3A_138 = arith.cmpi eq, %get3A_137, %get3A_1 : vector<16xi32>
          %or3A_139 = arith.ori %or3A_131, %eq3A_138 : vector<16xi1>
          %add3A_140 = arith.constant 96 : i32
          %add3A_141 = arith.addi %mul3A_95, %add3A_140 : i32
          %get3A_142 = arith.constant 1 : i32
          %get3A_143 = arith.index_cast %get3A_142 : i32 to index
          %get3A_144 = arith.index_cast %add3A_141 : i32 to index
          %get3A_145 = tpu.vector_load %arg7[%get3A_143, %get3A_144] {strides = array<i32>} : memref<2x25600xi32, #tpu.memory_space<vmem>>, vector<16xi32>,
          %eq3A_146 = arith.cmpi eq, %get3A_145, %get3A_1 : vector<16xi32>
          %or3A_147 = arith.ori %or3A_139, %eq3A_146 : vector<16xi1>
          %add3A_148 = arith.constant 112 : i32
          %add3A_149 = arith.addi %mul3A_95, %add3A_148 : i32
          %get3A_150 = arith.constant 1 : i32
          %get3A_151 = arith.index_cast %get3A_150 : i32 to index
          %get3A_152 = arith.index_cast %add3A_149 : i32 to index
          %get3A_153 = tpu.vector_load %arg7[%get3A_151, %get3A_152] {strides = array<i32>} : memref<2x25600xi32, #tpu.memory_space<vmem>>, vector<16xi32>,
          %eq3A_154 = arith.cmpi eq, %get3A_153, %get3A_1 : vector<16xi32>
          %or3A_155 = arith.ori %or3A_147, %eq3A_154 : vector<16xi1>
          %add3A_156 = arith.constant 128 : i32
          %add3A_157 = arith.addi %mul3A_95, %add3A_156 : i32
          %get3A_158 = arith.constant 1 : i32
          %get3A_159 = arith.index_cast %get3A_158 : i32 to index
          %get3A_160 = arith.index_cast %add3A_157 : i32 to index
          %get3A_161 = tpu.vector_load %arg7[%get3A_159, %get3A_160] {strides = array<i32>} : memref<2x25600xi32, #tpu.memory_space<vmem>>, vector<16xi32>,
          %eq3A_162 = arith.cmpi eq, %get3A_161, %get3A_1 : vector<16xi32>
          %or3A_163 = arith.ori %or3A_155, %eq3A_162 : vector<16xi1>
          %add3A_164 = arith.constant 144 : i32
          %add3A_165 = arith.addi %mul3A_95, %add3A_164 : i32
          %get3A_166 = arith.constant 1 : i32
          %get3A_167 = arith.index_cast %get3A_166 : i32 to index
          %get3A_168 = arith.index_cast %add3A_165 : i32 to index
          %get3A_169 = tpu.vector_load %arg7[%get3A_167, %get3A_168] {strides = array<i32>} : memref<2x25600xi32, #tpu.memory_space<vmem>>, vector<16xi32>,
          %eq3A_170 = arith.cmpi eq, %get3A_169, %get3A_1 : vector<16xi32>
          %or3A_171 = arith.ori %or3A_163, %eq3A_170 : vector<16xi1>
          %add3A_172 = arith.constant 160 : i32
          %add3A_173 = arith.addi %mul3A_95, %add3A_172 : i32
          %get3A_174 = arith.constant 1 : i32
          %get3A_175 = arith.index_cast %get3A_174 : i32 to index
          %get3A_176 = arith.index_cast %add3A_173 : i32 to index
          %get3A_177 = tpu.vector_load %arg7[%get3A_175, %get3A_176] {strides = array<i32>} : memref<2x25600xi32, #tpu.memory_space<vmem>>, vector<16xi32>,
          %eq3A_178 = arith.cmpi eq, %get3A_177, %get3A_1 : vector<16xi32>
          %or3A_179 = arith.ori %or3A_171, %eq3A_178 : vector<16xi1>
          %add3A_180 = arith.constant 176 : i32
          %add3A_181 = arith.addi %mul3A_95, %add3A_180 : i32
          %get3A_182 = arith.constant 1 : i32
          %get3A_183 = arith.index_cast %get3A_182 : i32 to index
          %get3A_184 = arith.index_cast %add3A_181 : i32 to index
          %get3A_185 = tpu.vector_load %arg7[%get3A_183, %get3A_184] {strides = array<i32>} : memref<2x25600xi32, #tpu.memory_space<vmem>>, vector<16xi32>,
          %eq3A_186 = arith.cmpi eq, %get3A_185, %get3A_1 : vector<16xi32>
          %or3A_187 = arith.ori %or3A_179, %eq3A_186 : vector<16xi1>
          %add3A_188 = arith.constant 192 : i32
          %add3A_189 = arith.addi %mul3A_95, %add3A_188 : i32
          %get3A_190 = arith.constant 1 : i32
          %get3A_191 = arith.index_cast %get3A_190 : i32 to index
          %get3A_192 = arith.index_cast %add3A_189 : i32 to index
          %get3A_193 = tpu.vector_load %arg7[%get3A_191, %get3A_192] {strides = array<i32>} : memref<2x25600xi32, #tpu.memory_space<vmem>>, vector<16xi32>,
          %eq3A_194 = arith.cmpi eq, %get3A_193, %get3A_1 : vector<16xi32>
          %or3A_195 = arith.ori %or3A_187, %eq3A_194 : vector<16xi1>
          %add3A_196 = arith.constant 208 : i32
          %add3A_197 = arith.addi %mul3A_95, %add3A_196 : i32
          %get3A_198 = arith.constant 1 : i32
          %get3A_199 = arith.index_cast %get3A_198 : i32 to index
          %get3A_200 = arith.index_cast %add3A_197 : i32 to index
          %get3A_201 = tpu.vector_load %arg7[%get3A_199, %get3A_200] {strides = array<i32>} : memref<2x25600xi32, #tpu.memory_space<vmem>>, vector<16xi32>,
          %eq3A_202 = arith.cmpi eq, %get3A_201, %get3A_1 : vector<16xi32>
          %or3A_203 = arith.ori %or3A_195, %eq3A_202 : vector<16xi1>
          %add3A_204 = arith.constant 224 : i32
          %add3A_205 = arith.addi %mul3A_95, %add3A_204 : i32
          %get3A_206 = arith.constant 1 : i32
          %get3A_207 = arith.index_cast %get3A_206 : i32 to index
          %get3A_208 = arith.index_cast %add3A_205 : i32 to index
          %get3A_209 = tpu.vector_load %arg7[%get3A_207, %get3A_208] {strides = array<i32>} : memref<2x25600xi32, #tpu.memory_space<vmem>>, vector<16xi32>,
          %eq3A_210 = arith.cmpi eq, %get3A_209, %get3A_1 : vector<16xi32>
          %or3A_211 = arith.ori %or3A_203, %eq3A_210 : vector<16xi1>
          %add3A_212 = arith.constant 240 : i32
          %add3A_213 = arith.addi %mul3A_95, %add3A_212 : i32
          %get3A_214 = arith.constant 1 : i32
          %get3A_215 = arith.index_cast %get3A_214 : i32 to index
          %get3A_216 = arith.index_cast %add3A_213 : i32 to index
          %get3A_217 = tpu.vector_load %arg7[%get3A_215, %get3A_216] {strides = array<i32>} : memref<2x25600xi32, #tpu.memory_space<vmem>>, vector<16xi32>,
          %eq3A_218 = arith.cmpi eq, %get3A_217, %get3A_1 : vector<16xi32>
          %or3A_219 = arith.ori %or3A_211, %eq3A_218 : vector<16xi1>
          %add3A_220 = arith.constant 256 : i32
          %add3A_221 = arith.addi %mul3A_95, %add3A_220 : i32
          %get3A_222 = arith.constant 1 : i32
          %get3A_223 = arith.index_cast %get3A_222 : i32 to index
          %get3A_224 = arith.index_cast %add3A_221 : i32 to index
          %get3A_225 = tpu.vector_load %arg7[%get3A_223, %get3A_224] {strides = array<i32>} : memref<2x25600xi32, #tpu.memory_space<vmem>>, vector<16xi32>,
          %eq3A_226 = arith.cmpi eq, %get3A_225, %get3A_1 : vector<16xi32>
          %or3A_227 = arith.ori %or3A_219, %eq3A_226 : vector<16xi1>
          %add3A_228 = arith.constant 272 : i32
          %add3A_229 = arith.addi %mul3A_95, %add3A_228 : i32
          %get3A_230 = arith.constant 1 : i32
          %get3A_231 = arith.index_cast %get3A_230 : i32 to index
          %get3A_232 = arith.index_cast %add3A_229 : i32 to index
          %get3A_233 = tpu.vector_load %arg7[%get3A_231, %get3A_232] {strides = array<i32>} : memref<2x25600xi32, #tpu.memory_space<vmem>>, vector<16xi32>,
          %eq3A_234 = arith.cmpi eq, %get3A_233, %get3A_1 : vector<16xi32>
          %or3A_235 = arith.ori %or3A_227, %eq3A_234 : vector<16xi1>
          %add3A_236 = arith.constant 288 : i32
          %add3A_237 = arith.addi %mul3A_95, %add3A_236 : i32
          %get3A_238 = arith.constant 1 : i32
          %get3A_239 = arith.index_cast %get3A_238 : i32 to index
          %get3A_240 = arith.index_cast %add3A_237 : i32 to index
          %get3A_241 = tpu.vector_load %arg7[%get3A_239, %get3A_240] {strides = array<i32>} : memref<2x25600xi32, #tpu.memory_space<vmem>>, vector<16xi32>,
          %eq3A_242 = arith.cmpi eq, %get3A_241, %get3A_1 : vector<16xi32>
          %or3A_243 = arith.ori %or3A_235, %eq3A_242 : vector<16xi1>
          %add3A_244 = arith.constant 304 : i32
          %add3A_245 = arith.addi %mul3A_95, %add3A_244 : i32
          %get3A_246 = arith.constant 1 : i32
          %get3A_247 = arith.index_cast %get3A_246 : i32 to index
          %get3A_248 = arith.index_cast %add3A_245 : i32 to index
          %get3A_249 = tpu.vector_load %arg7[%get3A_247, %get3A_248] {strides = array<i32>} : memref<2x25600xi32, #tpu.memory_space<vmem>>, vector<16xi32>,
          %eq3A_250 = arith.cmpi eq, %get3A_249, %get3A_1 : vector<16xi32>
          %or3A_251 = arith.ori %or3A_243, %eq3A_250 : vector<16xi1>
          %add3A_252 = arith.constant 320 : i32
          %add3A_253 = arith.addi %mul3A_95, %add3A_252 : i32
          %get3A_254 = arith.constant 1 : i32
          %get3A_255 = arith.index_cast %get3A_254 : i32 to index
          %get3A_256 = arith.index_cast %add3A_253 : i32 to index
          %get3A_257 = tpu.vector_load %arg7[%get3A_255, %get3A_256] {strides = array<i32>} : memref<2x25600xi32, #tpu.memory_space<vmem>>, vector<16xi32>,
          %eq3A_258 = arith.cmpi eq, %get3A_257, %get3A_1 : vector<16xi32>
          %or3A_259 = arith.ori %or3A_251, %eq3A_258 : vector<16xi1>
          %add3A_260 = arith.constant 336 : i32
          %add3A_261 = arith.addi %mul3A_95, %add3A_260 : i32
          %get3A_262 = arith.constant 1 : i32
          %get3A_263 = arith.index_cast %get3A_262 : i32 to index
          %get3A_264 = arith.index_cast %add3A_261 : i32 to index
          %get3A_265 = tpu.vector_load %arg7[%get3A_263, %get3A_264] {strides = array<i32>} : memref<2x25600xi32, #tpu.memory_space<vmem>>, vector<16xi32>,
          %eq3A_266 = arith.cmpi eq, %get3A_265, %get3A_1 : vector<16xi32>
          %or3A_267 = arith.ori %or3A_259, %eq3A_266 : vector<16xi1>
          %add3A_268 = arith.constant 352 : i32
          %add3A_269 = arith.addi %mul3A_95, %add3A_268 : i32
          %get3A_270 = arith.constant 1 : i32
          %get3A_271 = arith.index_cast %get3A_270 : i32 to index
          %get3A_272 = arith.index_cast %add3A_269 : i32 to index
          %get3A_273 = tpu.vector_load %arg7[%get3A_271, %get3A_272] {strides = array<i32>} : memref<2x25600xi32, #tpu.memory_space<vmem>>, vector<16xi32>,
          %eq3A_274 = arith.cmpi eq, %get3A_273, %get3A_1 : vector<16xi32>
          %or3A_275 = arith.ori %or3A_267, %eq3A_274 : vector<16xi1>
          %add3A_276 = arith.constant 368 : i32
          %add3A_277 = arith.addi %mul3A_95, %add3A_276 : i32
          %get3A_278 = arith.constant 1 : i32
          %get3A_279 = arith.index_cast %get3A_278 : i32 to index
          %get3A_280 = arith.index_cast %add3A_277 : i32 to index
          %get3A_281 = tpu.vector_load %arg7[%get3A_279, %get3A_280] {strides = array<i32>} : memref<2x25600xi32, #tpu.memory_space<vmem>>, vector<16xi32>,
          %eq3A_282 = arith.cmpi eq, %get3A_281, %get3A_1 : vector<16xi32>
          %or3A_283 = arith.ori %or3A_275, %eq3A_282 : vector<16xi1>
          %add3A_284 = arith.constant 384 : i32
          %add3A_285 = arith.addi %mul3A_95, %add3A_284 : i32
          %get3A_286 = arith.constant 1 : i32
          %get3A_287 = arith.index_cast %get3A_286 : i32 to index
          %get3A_288 = arith.index_cast %add3A_285 : i32 to index
          %get3A_289 = tpu.vector_load %arg7[%get3A_287, %get3A_288] {strides = array<i32>} : memref<2x25600xi32, #tpu.memory_space<vmem>>, vector<16xi32>,
          %eq3A_290 = arith.cmpi eq, %get3A_289, %get3A_1 : vector<16xi32>
          %or3A_291 = arith.ori %or3A_283, %eq3A_290 : vector<16xi1>
          %add3A_292 = arith.constant 400 : i32
          %add3A_293 = arith.addi %mul3A_95, %add3A_292 : i32
          %get3A_294 = arith.constant 1 : i32
          %get3A_295 = arith.index_cast %get3A_294 : i32 to index
          %get3A_296 = arith.index_cast %add3A_293 : i32 to index
          %get3A_297 = tpu.vector_load %arg7[%get3A_295, %get3A_296] {strides = array<i32>} : memref<2x25600xi32, #tpu.memory_space<vmem>>, vector<16xi32>,
          %eq3A_298 = arith.cmpi eq, %get3A_297, %get3A_1 : vector<16xi32>
          %or3A_299 = arith.ori %or3A_291, %eq3A_298 : vector<16xi1>
          %add3A_300 = arith.constant 416 : i32
          %add3A_301 = arith.addi %mul3A_95, %add3A_300 : i32
          %get3A_302 = arith.constant 1 : i32
          %get3A_303 = arith.index_cast %get3A_302 : i32 to index
          %get3A_304 = arith.index_cast %add3A_301 : i32 to index
          %get3A_305 = tpu.vector_load %arg7[%get3A_303, %get3A_304] {strides = array<i32>} : memref<2x25600xi32, #tpu.memory_space<vmem>>, vector<16xi32>,
          %eq3A_306 = arith.cmpi eq, %get3A_305, %get3A_1 : vector<16xi32>
          %or3A_307 = arith.ori %or3A_299, %eq3A_306 : vector<16xi1>
          %add3A_308 = arith.constant 432 : i32
          %add3A_309 = arith.addi %mul3A_95, %add3A_308 : i32
          %get3A_310 = arith.constant 1 : i32
          %get3A_311 = arith.index_cast %get3A_310 : i32 to index
          %get3A_312 = arith.index_cast %add3A_309 : i32 to index
          %get3A_313 = tpu.vector_load %arg7[%get3A_311, %get3A_312] {strides = array<i32>} : memref<2x25600xi32, #tpu.memory_space<vmem>>, vector<16xi32>,
          %eq3A_314 = arith.cmpi eq, %get3A_313, %get3A_1 : vector<16xi32>
          %or3A_315 = arith.ori %or3A_307, %eq3A_314 : vector<16xi1>
          %add3A_316 = arith.constant 448 : i32
          %add3A_317 = arith.addi %mul3A_95, %add3A_316 : i32
          %get3A_318 = arith.constant 1 : i32
          %get3A_319 = arith.index_cast %get3A_318 : i32 to index
          %get3A_320 = arith.index_cast %add3A_317 : i32 to index
          %get3A_321 = tpu.vector_load %arg7[%get3A_319, %get3A_320] {strides = array<i32>} : memref<2x25600xi32, #tpu.memory_space<vmem>>, vector<16xi32>,
          %eq3A_322 = arith.cmpi eq, %get3A_321, %get3A_1 : vector<16xi32>
          %or3A_323 = arith.ori %or3A_315, %eq3A_322 : vector<16xi1>
          %add3A_324 = arith.constant 464 : i32
          %add3A_325 = arith.addi %mul3A_95, %add3A_324 : i32
          %get3A_326 = arith.constant 1 : i32
          %get3A_327 = arith.index_cast %get3A_326 : i32 to index
          %get3A_328 = arith.index_cast %add3A_325 : i32 to index
          %get3A_329 = tpu.vector_load %arg7[%get3A_327, %get3A_328] {strides = array<i32>} : memref<2x25600xi32, #tpu.memory_space<vmem>>, vector<16xi32>,
          %eq3A_330 = arith.cmpi eq, %get3A_329, %get3A_1 : vector<16xi32>
          %or3A_331 = arith.ori %or3A_323, %eq3A_330 : vector<16xi1>
          %add3A_332 = arith.constant 480 : i32
          %add3A_333 = arith.addi %mul3A_95, %add3A_332 : i32
          %get3A_334 = arith.constant 1 : i32
          %get3A_335 = arith.index_cast %get3A_334 : i32 to index
          %get3A_336 = arith.index_cast %add3A_333 : i32 to index
          %get3A_337 = tpu.vector_load %arg7[%get3A_335, %get3A_336] {strides = array<i32>} : memref<2x25600xi32, #tpu.memory_space<vmem>>, vector<16xi32>,
          %eq3A_338 = arith.cmpi eq, %get3A_337, %get3A_1 : vector<16xi32>
          %or3A_339 = arith.ori %or3A_331, %eq3A_338 : vector<16xi1>
          %add3A_340 = arith.constant 496 : i32
          %add3A_341 = arith.addi %mul3A_95, %add3A_340 : i32
          %get3A_342 = arith.constant 1 : i32
          %get3A_343 = arith.index_cast %get3A_342 : i32 to index
          %get3A_344 = arith.index_cast %add3A_341 : i32 to index
          %get3A_345 = tpu.vector_load %arg7[%get3A_343, %get3A_344] {strides = array<i32>} : memref<2x25600xi32, #tpu.memory_space<vmem>>, vector<16xi32>,
          %eq3A_346 = arith.cmpi eq, %get3A_345, %get3A_1 : vector<16xi32>
          %or3A_347 = arith.ori %or3A_339, %eq3A_346 : vector<16xi1>
          %jit3A = arith.constant 1 : i32
          %jit3A_348 = arith.constant 0 : i32
          %broadcast_in_dim3A = vector.broadcast %jit3A : i32 to vector<16xi32>
          %broadcast_in_dim3A_349 = vector.broadcast %jit3A_348 : i32 to vector<16xi32>
          %select_n3A = arith.select %or3A_347, %broadcast_in_dim3A, %broadcast_in_dim3A_349 : vector<16xi1>, vector<16xi32>
          %reduce_sum3A = arith.constant true
          %reduce_sum3A_350 = vector.broadcast %reduce_sum3A : i1 to vector<16xi1>
          %reduce_sum3A_351 = tpu.scan <sum>, %select_n3A masked %reduce_sum3A_350 : vector<16xi32>, vector<16xi1> -> vector<16xi32>
          %reduce_sum3A_352 = vector.extract %reduce_sum3A_351[15] : i32 from vector<16xi32>
          %gt3A = arith.constant 0 : i32
          %gt3A_353 = arith.cmpi sgt, %reduce_sum3A_352, %gt3A : i32
          %convert_element_type3A_354 = arith.extui %gt3A_353 : i1 to i32
          %cond3A_355 = arith.constant 0 : i32
          %cond3A_356 = arith.cmpi ne, %convert_element_type3A_354, %cond3A_355 : i32
          scf.if %cond3A_356 {
            %scan3A_358 = arith.constant 0 : i32
            %scan3A_359 = arith.constant 0 : i32
            %scan3A_360 = arith.constant 32 : i32
            %scan3A_361 = arith.addi %scan3A_359, %scan3A_360 : i32
            %scan3A_362 = arith.constant 1 : i32
            %scan3A_363 = scf.for %scan3A_365 = %scan3A_359 to %scan3A_361 step %scan3A_362 iter_args(%scan3A_366 = %scan3A_358) -> (i32)  : i32 {
              %mul3A_367 = arith.constant 16 : i32
              %mul3A_368 = arith.muli %scan3A_365, %mul3A_367 : i32
              %add3A_369 = arith.addi %mul3A_95, %mul3A_368 : i32
              %get3A_370 = arith.constant 1 : i32
              %get3A_371 = arith.index_cast %get3A_370 : i32 to index
              %get3A_372 = arith.index_cast %add3A_369 : i32 to index
              %get3A_373 = tpu.vector_load %arg7[%get3A_371, %get3A_372] {strides = array<i32>} : memref<2x25600xi32, #tpu.memory_space<vmem>>, vector<16xi32>,
              %eq3A_374 = arith.cmpi eq, %get3A_373, %get3A_1 : vector<16xi32>
              %jit3A_375 = arith.constant 1 : i32
              %jit3A_376 = arith.constant 0 : i32
              %broadcast_in_dim3A_377 = vector.broadcast %jit3A_375 : i32 to vector<16xi32>
              %broadcast_in_dim3A_378 = vector.broadcast %jit3A_376 : i32 to vector<16xi32>
              %select_n3A_379 = arith.select %eq3A_374, %broadcast_in_dim3A_377, %broadcast_in_dim3A_378 : vector<16xi1>, vector<16xi32>
              %reduce_sum3A_380 = arith.constant true
              %reduce_sum3A_381 = vector.broadcast %reduce_sum3A_380 : i1 to vector<16xi1>
              %reduce_sum3A_382 = tpu.scan <sum>, %select_n3A_379 masked %reduce_sum3A_381 : vector<16xi32>, vector<16xi1> -> vector<16xi32>
              %reduce_sum3A_383 = vector.extract %reduce_sum3A_382[15] : i32 from vector<16xi32>
              %gt3A_384 = arith.constant 0 : i32
              %gt3A_385 = arith.cmpi sgt, %reduce_sum3A_383, %gt3A_384 : i32
              %convert_element_type3A_386 = arith.extui %gt3A_385 : i1 to i32
              %cond3A_387 = arith.constant 0 : i32
              %cond3A_388 = arith.cmpi ne, %convert_element_type3A_386, %cond3A_387 : i32
              scf.if %cond3A_388 {
                %mul3A_390 = arith.constant 25600 : i32
                %mul3A_391 = arith.muli %add3A_54, %mul3A_390 : i32
                %add3A_392 = arith.addi %mul3A_391, %add3A_369 : i32
                %jit3A_393 = arith.constant 128 : i32
                %div3A = arith.divsi %add3A_392, %jit3A_393 : i32
                %sign3A = arith.constant 0 : i32
                %sign3A_394 = arith.cmpi sgt, %add3A_392, %sign3A : i32
                %sign3A_395 = arith.extui %sign3A_394 : i1 to i32
                %sign3A_396 = arith.constant 0 : i32
                %sign3A_397 = arith.cmpi slt, %add3A_392, %sign3A_396 : i32
                %sign3A_398 = arith.extui %sign3A_397 : i1 to i32
                %sign3A_399 = arith.subi %sign3A_395, %sign3A_398 : i32
                %sign3A_400 = arith.constant 0 : i32
                %sign3A_401 = arith.cmpi sgt, %jit3A_393, %sign3A_400 : i32
                %sign3A_402 = arith.extui %sign3A_401 : i1 to i32
                %sign3A_403 = arith.constant 0 : i32
                %sign3A_404 = arith.cmpi slt, %jit3A_393, %sign3A_403 : i32
                %sign3A_405 = arith.extui %sign3A_404 : i1 to i32
                %sign3A_406 = arith.subi %sign3A_402, %sign3A_405 : i32
                %ne3A = arith.cmpi ne, %sign3A_399, %sign3A_406 : i32
                %rem3A = arith.remsi %add3A_392, %jit3A_393 : i32
                %ne3A_407 = arith.constant 0 : i32
                %ne3A_408 = arith.cmpi ne, %rem3A, %ne3A_407 : i32
                %and3A = arith.andi %ne3A, %ne3A_408 : i1
                %sub3A = arith.constant 1 : i32
                %sub3A_409 = arith.subi %div3A, %sub3A : i32
                %select_n3A_410 = arith.select %and3A, %sub3A_409, %div3A : i32
                %rem3A_411 = arith.constant 128 : i32
                %rem3A_412 = arith.remsi %add3A_392, %rem3A_411 : i32
                %jit3A_413 = arith.constant 8 : i32
                %div3A_414 = arith.divsi %select_n3A_410, %jit3A_413 : i32
                %sign3A_415 = arith.constant 0 : i32
                %sign3A_416 = arith.cmpi sgt, %select_n3A_410, %sign3A_415 : i32
                %sign3A_417 = arith.extui %sign3A_416 : i1 to i32
                %sign3A_418 = arith.constant 0 : i32
                %sign3A_419 = arith.cmpi slt, %select_n3A_410, %sign3A_418 : i32
                %sign3A_420 = arith.extui %sign3A_419 : i1 to i32
                %sign3A_421 = arith.subi %sign3A_417, %sign3A_420 : i32
                %sign3A_422 = arith.constant 0 : i32
                %sign3A_423 = arith.cmpi sgt, %jit3A_413, %sign3A_422 : i32
                %sign3A_424 = arith.extui %sign3A_423 : i1 to i32
                %sign3A_425 = arith.constant 0 : i32
                %sign3A_426 = arith.cmpi slt, %jit3A_413, %sign3A_425 : i32
                %sign3A_427 = arith.extui %sign3A_426 : i1 to i32
                %sign3A_428 = arith.subi %sign3A_424, %sign3A_427 : i32
                %ne3A_429 = arith.cmpi ne, %sign3A_421, %sign3A_428 : i32
                %rem3A_430 = arith.remsi %select_n3A_410, %jit3A_413 : i32
                %ne3A_431 = arith.constant 0 : i32
                %ne3A_432 = arith.cmpi ne, %rem3A_430, %ne3A_431 : i32
                %and3A_433 = arith.andi %ne3A_429, %ne3A_432 : i1
                %sub3A_434 = arith.constant 1 : i32
                %sub3A_435 = arith.subi %div3A_414, %sub3A_434 : i32
                %select_n3A_436 = arith.select %and3A_433, %sub3A_435, %div3A_414 : i32
                %mul3A_437 = arith.constant 8 : i32
                %mul3A_438 = arith.muli %select_n3A_436, %mul3A_437 : i32
                %dma_start3A = arith.constant 0 : i32
                %dma_start3A_439 = tpu.memref_slice %arg4[%mul3A_438, %dma_start3A] : memref<25000x128xf32, #tpu.memory_space<hbm>> -> memref<8x128xf32, #tpu.memory_space<hbm>>
                %dma_start3A_440 = arith.constant 0 : i32
                %dma_start3A_441 = tpu.memref_slice %arg4[%mul3A_438, %dma_start3A_440] : memref<25000x128xf32, #tpu.memory_space<hbm>> -> memref<8x128xf32, #tpu.memory_space<hbm>>
                tpu.enqueue_dma source(%dma_start3A_441 : memref<8x128xf32, #tpu.memory_space<hbm>>) target(%arg9 : memref<8x128xf32, #tpu.memory_space<vmem>>) target_semaphore(%arg16 : memref<!tpu.dma_semaphore, #tpu.memory_space<semaphore_mem>>)
                %dma_wait3A_442 = arith.constant 0 : i32
                %dma_wait3A_443 = tpu.memref_slice %arg4[%mul3A_438, %dma_wait3A_442] : memref<25000x128xf32, #tpu.memory_space<hbm>> -> memref<8x128xf32, #tpu.memory_space<hbm>>
                %dma_wait3A_444 = arith.constant 0 : i32
                %dma_wait3A_445 = tpu.memref_slice %arg4[%mul3A_438, %dma_wait3A_444] : memref<25000x128xf32, #tpu.memory_space<hbm>> -> memref<8x128xf32, #tpu.memory_space<hbm>>
                tpu.wait_dma2 semaphore(%arg16 : memref<!tpu.dma_semaphore, #tpu.memory_space<semaphore_mem>>) src(%dma_wait3A_445 : memref<8x128xf32, #tpu.memory_space<hbm>>) dst(%arg9 : memref<8x128xf32, #tpu.memory_space<vmem>>)
                %sub3A_446 = arith.subi %select_n3A_410, %mul3A_438 : i32
                %broadcast_in_dim3A_447 = vector.broadcast %sub3A_446 : i32 to vector<16xi32>
                %iota3A = tpu.iota {dimensions = array<i32: 0>} : vector<16xi32>
                %add3A_448 = vector.broadcast %rem3A_412 : i32 to vector<16xi32>
                %add3A_449 = arith.addi %add3A_448, %iota3A : vector<16xi32>
                %gather3A = tpu.vector_load_idx %arg9[%broadcast_in_dim3A_447, %add3A_449] : memref<8x128xf32, #tpu.memory_space<vmem>>[vector<16xi32>, vector<16xi32>], vector<16xf32>,
                %jit3A_450 = arith.constant 0.000000e+00 : f32
                %broadcast_in_dim3A_451 = vector.broadcast %jit3A_450 : f32 to vector<16xf32>
                %select_n3A_452 = arith.select %eq3A_374, %gather3A, %broadcast_in_dim3A_451 : vector<16xi1>, vector<16xf32>
                %get3A_453 = arith.constant 0 : i32
                %get3A_454 = arith.index_cast %get3A_453 : i32 to index
                %get3A_455 = arith.index_cast %add3A_369 : i32 to index
                %get3A_456 = tpu.vector_load %arg7[%get3A_454, %get3A_455] {strides = array<i32>} : memref<2x25600xi32, #tpu.memory_space<vmem>>, vector<16xi32>,
                %swap3A = arith.constant 0 : index
                %swap3A_457 = tpu.vector_load %arg11[%swap3A] {strides = array<i32>} : memref<16xi32, #tpu.memory_space<vmem>>, vector<16xi32>,
                tpu.vector_store %arg11[%swap3A], %get3A_456 {strides = array<i32>} : memref<16xi32, #tpu.memory_space<vmem>>, vector<16xi32>,
                %swap3A_458 = arith.constant 0 : index
                %swap3A_459 = tpu.vector_load %arg12[%swap3A_458] {strides = array<i32>} : memref<16xf32, #tpu.memory_space<vmem>>, vector<16xf32>,
                tpu.vector_store %arg12[%swap3A_458], %select_n3A_452 {strides = array<i32>} : memref<16xf32, #tpu.memory_space<vmem>>, vector<16xf32>,
                "tpu.region"() ({
                  %run_scoped3A = tpu.sem_alloc : memref<!tpu.dma_semaphore, #tpu.memory_space<semaphore_mem>>
                  %dma_start3A_460 = arith.constant 0 : i32
                  %dma_start3A_461 = tpu.memref_slice %arg13[%dma_start3A_460] : memref<100000xf32, #tpu.memory_space<vmem_shared>> -> memref<100000xf32, #tpu.memory_space<vmem_shared>>
                  tpu.enqueue_indirect_dma source(%arg12 : memref<16xf32, #tpu.memory_space<vmem>>) target(%dma_start3A_461 : memref<100000xf32, #tpu.memory_space<vmem_shared>>) offsets(%arg11 : memref<16xi32, #tpu.memory_space<vmem>>) semaphore(%run_scoped3A : memref<!tpu.dma_semaphore, #tpu.memory_space<semaphore_mem>>) {add = true}
                  %dma_wait3A_462 = arith.constant 0 : i32
                  %dma_wait3A_463 = tpu.memref_slice %arg13[%dma_wait3A_462] : memref<100000xf32, #tpu.memory_space<vmem_shared>> -> memref<100000xf32, #tpu.memory_space<vmem_shared>>
                  tpu.wait_indirect_dma semaphore(%run_scoped3A : memref<!tpu.dma_semaphore, #tpu.memory_space<semaphore_mem>>) src(%arg12 : memref<16xf32, #tpu.memory_space<vmem>>) dst(%dma_wait3A_463 : memref<100000xf32, #tpu.memory_space<vmem_shared>>)
                  tpu.yield
                }) : () -> ()
              } else {
              }
              %scan3A_389 = arith.constant 0 : i32
              scf.yield %scan3A_389 : i32
            }
            %scan3A_364 = arith.constant 32 : i32
          } else {
          }
          %scan3A_357 = arith.constant 0 : i32
          scf.yield %scan3A_357 : i32
        }
        %scan3A_84 = arith.constant 50 : i32
        %add3A_85 = arith.constant 64 : i32
        %add3A_86 = arith.addi %add3A_54, %add3A_85 : i32
        %lt3A_87 = arith.constant 125 : i32
        %lt3A_88 = arith.cmpi slt, %add3A_86, %lt3A_87 : i32
        %convert_element_type3A_89 = arith.extui %lt3A_88 : i1 to i32
        %cond3A_90 = arith.constant 0 : i32
        %cond3A_91 = arith.cmpi ne, %convert_element_type3A_89, %cond3A_90 : i32
        scf.if %cond3A_91 {
          %mul3A_92 = arith.constant 25600 : i32
          %mul3A_93 = arith.muli %add3A_86, %mul3A_92 : i32
          %dma_start3A = arith.constant 0 : i32
          %dma_start3A_94 = tpu.memref_slice %arg3[%dma_start3A, %mul3A_93] : memref<2x3200000xi32, #tpu.memory_space<hbm>> -> memref<2x25600xi32, #tpu.memory_space<hbm>>
          %dma_start3A_95 = arith.constant 0 : i32
          %dma_start3A_96 = tpu.memref_slice %arg3[%dma_start3A_95, %mul3A_93] : memref<2x3200000xi32, #tpu.memory_space<hbm>> -> memref<2x25600xi32, #tpu.memory_space<hbm>>
          tpu.enqueue_dma source(%dma_start3A_96 : memref<2x25600xi32, #tpu.memory_space<hbm>>) target(%arg7 : memref<2x25600xi32, #tpu.memory_space<vmem>>) target_semaphore(%arg14 : memref<!tpu.dma_semaphore, #tpu.memory_space<semaphore_mem>>)
        } else {
        }
      } else {
      }
      %mul3A_60 = arith.constant 2 : i32
      %mul3A_61 = arith.muli %mul3A_60, %scan3A_46 : i32
      %add3A_62 = arith.constant 1 : i32
      %add3A_63 = arith.addi %mul3A_61, %add3A_62 : i32
      %mul3A_64 = arith.constant 32 : i32
      %mul3A_65 = arith.muli %add3A_63, %mul3A_64 : i32
      %add3A_66 = arith.addi %add3A, %mul3A_65 : i32
      %lt3A_67 = arith.constant 125 : i32
      %lt3A_68 = arith.cmpi slt, %add3A_66, %lt3A_67 : i32
      %convert_element_type3A_69 = arith.extui %lt3A_68 : i1 to i32
      %cond3A_70 = arith.constant 0 : i32
      %cond3A_71 = arith.cmpi ne, %convert_element_type3A_69, %cond3A_70 : i32
      scf.if %cond3A_71 {
        %mul3A_73 = arith.constant 25600 : i32
        %mul3A_74 = arith.muli %add3A_66, %mul3A_73 : i32
        %dma_wait3A = arith.constant 0 : i32
        %dma_wait3A_75 = tpu.memref_slice %arg3[%dma_wait3A, %mul3A_74] : memref<2x3200000xi32, #tpu.memory_space<hbm>> -> memref<2x25600xi32, #tpu.memory_space<hbm>>
        %dma_wait3A_76 = arith.constant 0 : i32
        %dma_wait3A_77 = tpu.memref_slice %arg3[%dma_wait3A_76, %mul3A_74] : memref<2x3200000xi32, #tpu.memory_space<hbm>> -> memref<2x25600xi32, #tpu.memory_space<hbm>>
        tpu.wait_dma2 semaphore(%arg15 : memref<!tpu.dma_semaphore, #tpu.memory_space<semaphore_mem>>) src(%dma_wait3A_77 : memref<2x25600xi32, #tpu.memory_space<hbm>>) dst(%arg8 : memref<2x25600xi32, #tpu.memory_space<vmem>>)
        %scan3A_78 = arith.constant 0 : i32
        %scan3A_79 = arith.constant 0 : i32
        %scan3A_80 = arith.constant 50 : i32
        %scan3A_81 = arith.addi %scan3A_79, %scan3A_80 : i32
        %scan3A_82 = arith.constant 1 : i32
        %scan3A_83 = scf.for %scan3A_92 = %scan3A_79 to %scan3A_81 step %scan3A_82 iter_args(%scan3A_93 = %scan3A_78) -> (i32)  : i32 {
          %mul3A_94 = arith.constant 512 : i32
          %mul3A_95 = arith.muli %scan3A_92, %mul3A_94 : i32
          %get3A_96 = arith.constant 1 : i32
          %get3A_97 = arith.index_cast %get3A_96 : i32 to index
          %get3A_98 = arith.index_cast %mul3A_95 : i32 to index
          %get3A_99 = tpu.vector_load %arg8[%get3A_97, %get3A_98] {strides = array<i32>} : memref<2x25600xi32, #tpu.memory_space<vmem>>, vector<16xi32>,
          %eq3A_100 = arith.cmpi eq, %get3A_99, %get3A_1 : vector<16xi32>
          %add3A_101 = arith.constant 16 : i32
          %add3A_102 = arith.addi %mul3A_95, %add3A_101 : i32
          %get3A_103 = arith.constant 1 : i32
          %get3A_104 = arith.index_cast %get3A_103 : i32 to index
          %get3A_105 = arith.index_cast %add3A_102 : i32 to index
          %get3A_106 = tpu.vector_load %arg8[%get3A_104, %get3A_105] {strides = array<i32>} : memref<2x25600xi32, #tpu.memory_space<vmem>>, vector<16xi32>,
          %eq3A_107 = arith.cmpi eq, %get3A_106, %get3A_1 : vector<16xi32>
          %or3A = arith.ori %eq3A_100, %eq3A_107 : vector<16xi1>
          %add3A_108 = arith.constant 32 : i32
          %add3A_109 = arith.addi %mul3A_95, %add3A_108 : i32
          %get3A_110 = arith.constant 1 : i32
          %get3A_111 = arith.index_cast %get3A_110 : i32 to index
          %get3A_112 = arith.index_cast %add3A_109 : i32 to index
          %get3A_113 = tpu.vector_load %arg8[%get3A_111, %get3A_112] {strides = array<i32>} : memref<2x25600xi32, #tpu.memory_space<vmem>>, vector<16xi32>,
          %eq3A_114 = arith.cmpi eq, %get3A_113, %get3A_1 : vector<16xi32>
          %or3A_115 = arith.ori %or3A, %eq3A_114 : vector<16xi1>
          %add3A_116 = arith.constant 48 : i32
          %add3A_117 = arith.addi %mul3A_95, %add3A_116 : i32
          %get3A_118 = arith.constant 1 : i32
          %get3A_119 = arith.index_cast %get3A_118 : i32 to index
          %get3A_120 = arith.index_cast %add3A_117 : i32 to index
          %get3A_121 = tpu.vector_load %arg8[%get3A_119, %get3A_120] {strides = array<i32>} : memref<2x25600xi32, #tpu.memory_space<vmem>>, vector<16xi32>,
          %eq3A_122 = arith.cmpi eq, %get3A_121, %get3A_1 : vector<16xi32>
          %or3A_123 = arith.ori %or3A_115, %eq3A_122 : vector<16xi1>
          %add3A_124 = arith.constant 64 : i32
          %add3A_125 = arith.addi %mul3A_95, %add3A_124 : i32
          %get3A_126 = arith.constant 1 : i32
          %get3A_127 = arith.index_cast %get3A_126 : i32 to index
          %get3A_128 = arith.index_cast %add3A_125 : i32 to index
          %get3A_129 = tpu.vector_load %arg8[%get3A_127, %get3A_128] {strides = array<i32>} : memref<2x25600xi32, #tpu.memory_space<vmem>>, vector<16xi32>,
          %eq3A_130 = arith.cmpi eq, %get3A_129, %get3A_1 : vector<16xi32>
          %or3A_131 = arith.ori %or3A_123, %eq3A_130 : vector<16xi1>
          %add3A_132 = arith.constant 80 : i32
          %add3A_133 = arith.addi %mul3A_95, %add3A_132 : i32
          %get3A_134 = arith.constant 1 : i32
          %get3A_135 = arith.index_cast %get3A_134 : i32 to index
          %get3A_136 = arith.index_cast %add3A_133 : i32 to index
          %get3A_137 = tpu.vector_load %arg8[%get3A_135, %get3A_136] {strides = array<i32>} : memref<2x25600xi32, #tpu.memory_space<vmem>>, vector<16xi32>,
          %eq3A_138 = arith.cmpi eq, %get3A_137, %get3A_1 : vector<16xi32>
          %or3A_139 = arith.ori %or3A_131, %eq3A_138 : vector<16xi1>
          %add3A_140 = arith.constant 96 : i32
          %add3A_141 = arith.addi %mul3A_95, %add3A_140 : i32
          %get3A_142 = arith.constant 1 : i32
          %get3A_143 = arith.index_cast %get3A_142 : i32 to index
          %get3A_144 = arith.index_cast %add3A_141 : i32 to index
          %get3A_145 = tpu.vector_load %arg8[%get3A_143, %get3A_144] {strides = array<i32>} : memref<2x25600xi32, #tpu.memory_space<vmem>>, vector<16xi32>,
          %eq3A_146 = arith.cmpi eq, %get3A_145, %get3A_1 : vector<16xi32>
          %or3A_147 = arith.ori %or3A_139, %eq3A_146 : vector<16xi1>
          %add3A_148 = arith.constant 112 : i32
          %add3A_149 = arith.addi %mul3A_95, %add3A_148 : i32
          %get3A_150 = arith.constant 1 : i32
          %get3A_151 = arith.index_cast %get3A_150 : i32 to index
          %get3A_152 = arith.index_cast %add3A_149 : i32 to index
          %get3A_153 = tpu.vector_load %arg8[%get3A_151, %get3A_152] {strides = array<i32>} : memref<2x25600xi32, #tpu.memory_space<vmem>>, vector<16xi32>,
          %eq3A_154 = arith.cmpi eq, %get3A_153, %get3A_1 : vector<16xi32>
          %or3A_155 = arith.ori %or3A_147, %eq3A_154 : vector<16xi1>
          %add3A_156 = arith.constant 128 : i32
          %add3A_157 = arith.addi %mul3A_95, %add3A_156 : i32
          %get3A_158 = arith.constant 1 : i32
          %get3A_159 = arith.index_cast %get3A_158 : i32 to index
          %get3A_160 = arith.index_cast %add3A_157 : i32 to index
          %get3A_161 = tpu.vector_load %arg8[%get3A_159, %get3A_160] {strides = array<i32>} : memref<2x25600xi32, #tpu.memory_space<vmem>>, vector<16xi32>,
          %eq3A_162 = arith.cmpi eq, %get3A_161, %get3A_1 : vector<16xi32>
          %or3A_163 = arith.ori %or3A_155, %eq3A_162 : vector<16xi1>
          %add3A_164 = arith.constant 144 : i32
          %add3A_165 = arith.addi %mul3A_95, %add3A_164 : i32
          %get3A_166 = arith.constant 1 : i32
          %get3A_167 = arith.index_cast %get3A_166 : i32 to index
          %get3A_168 = arith.index_cast %add3A_165 : i32 to index
          %get3A_169 = tpu.vector_load %arg8[%get3A_167, %get3A_168] {strides = array<i32>} : memref<2x25600xi32, #tpu.memory_space<vmem>>, vector<16xi32>,
          %eq3A_170 = arith.cmpi eq, %get3A_169, %get3A_1 : vector<16xi32>
          %or3A_171 = arith.ori %or3A_163, %eq3A_170 : vector<16xi1>
          %add3A_172 = arith.constant 160 : i32
          %add3A_173 = arith.addi %mul3A_95, %add3A_172 : i32
          %get3A_174 = arith.constant 1 : i32
          %get3A_175 = arith.index_cast %get3A_174 : i32 to index
          %get3A_176 = arith.index_cast %add3A_173 : i32 to index
          %get3A_177 = tpu.vector_load %arg8[%get3A_175, %get3A_176] {strides = array<i32>} : memref<2x25600xi32, #tpu.memory_space<vmem>>, vector<16xi32>,
          %eq3A_178 = arith.cmpi eq, %get3A_177, %get3A_1 : vector<16xi32>
          %or3A_179 = arith.ori %or3A_171, %eq3A_178 : vector<16xi1>
          %add3A_180 = arith.constant 176 : i32
          %add3A_181 = arith.addi %mul3A_95, %add3A_180 : i32
          %get3A_182 = arith.constant 1 : i32
          %get3A_183 = arith.index_cast %get3A_182 : i32 to index
          %get3A_184 = arith.index_cast %add3A_181 : i32 to index
          %get3A_185 = tpu.vector_load %arg8[%get3A_183, %get3A_184] {strides = array<i32>} : memref<2x25600xi32, #tpu.memory_space<vmem>>, vector<16xi32>,
          %eq3A_186 = arith.cmpi eq, %get3A_185, %get3A_1 : vector<16xi32>
          %or3A_187 = arith.ori %or3A_179, %eq3A_186 : vector<16xi1>
          %add3A_188 = arith.constant 192 : i32
          %add3A_189 = arith.addi %mul3A_95, %add3A_188 : i32
          %get3A_190 = arith.constant 1 : i32
          %get3A_191 = arith.index_cast %get3A_190 : i32 to index
          %get3A_192 = arith.index_cast %add3A_189 : i32 to index
          %get3A_193 = tpu.vector_load %arg8[%get3A_191, %get3A_192] {strides = array<i32>} : memref<2x25600xi32, #tpu.memory_space<vmem>>, vector<16xi32>,
          %eq3A_194 = arith.cmpi eq, %get3A_193, %get3A_1 : vector<16xi32>
          %or3A_195 = arith.ori %or3A_187, %eq3A_194 : vector<16xi1>
          %add3A_196 = arith.constant 208 : i32
          %add3A_197 = arith.addi %mul3A_95, %add3A_196 : i32
          %get3A_198 = arith.constant 1 : i32
          %get3A_199 = arith.index_cast %get3A_198 : i32 to index
          %get3A_200 = arith.index_cast %add3A_197 : i32 to index
          %get3A_201 = tpu.vector_load %arg8[%get3A_199, %get3A_200] {strides = array<i32>} : memref<2x25600xi32, #tpu.memory_space<vmem>>, vector<16xi32>,
          %eq3A_202 = arith.cmpi eq, %get3A_201, %get3A_1 : vector<16xi32>
          %or3A_203 = arith.ori %or3A_195, %eq3A_202 : vector<16xi1>
          %add3A_204 = arith.constant 224 : i32
          %add3A_205 = arith.addi %mul3A_95, %add3A_204 : i32
          %get3A_206 = arith.constant 1 : i32
          %get3A_207 = arith.index_cast %get3A_206 : i32 to index
          %get3A_208 = arith.index_cast %add3A_205 : i32 to index
          %get3A_209 = tpu.vector_load %arg8[%get3A_207, %get3A_208] {strides = array<i32>} : memref<2x25600xi32, #tpu.memory_space<vmem>>, vector<16xi32>,
          %eq3A_210 = arith.cmpi eq, %get3A_209, %get3A_1 : vector<16xi32>
          %or3A_211 = arith.ori %or3A_203, %eq3A_210 : vector<16xi1>
          %add3A_212 = arith.constant 240 : i32
          %add3A_213 = arith.addi %mul3A_95, %add3A_212 : i32
          %get3A_214 = arith.constant 1 : i32
          %get3A_215 = arith.index_cast %get3A_214 : i32 to index
          %get3A_216 = arith.index_cast %add3A_213 : i32 to index
          %get3A_217 = tpu.vector_load %arg8[%get3A_215, %get3A_216] {strides = array<i32>} : memref<2x25600xi32, #tpu.memory_space<vmem>>, vector<16xi32>,
          %eq3A_218 = arith.cmpi eq, %get3A_217, %get3A_1 : vector<16xi32>
          %or3A_219 = arith.ori %or3A_211, %eq3A_218 : vector<16xi1>
          %add3A_220 = arith.constant 256 : i32
          %add3A_221 = arith.addi %mul3A_95, %add3A_220 : i32
          %get3A_222 = arith.constant 1 : i32
          %get3A_223 = arith.index_cast %get3A_222 : i32 to index
          %get3A_224 = arith.index_cast %add3A_221 : i32 to index
          %get3A_225 = tpu.vector_load %arg8[%get3A_223, %get3A_224] {strides = array<i32>} : memref<2x25600xi32, #tpu.memory_space<vmem>>, vector<16xi32>,
          %eq3A_226 = arith.cmpi eq, %get3A_225, %get3A_1 : vector<16xi32>
          %or3A_227 = arith.ori %or3A_219, %eq3A_226 : vector<16xi1>
          %add3A_228 = arith.constant 272 : i32
          %add3A_229 = arith.addi %mul3A_95, %add3A_228 : i32
          %get3A_230 = arith.constant 1 : i32
          %get3A_231 = arith.index_cast %get3A_230 : i32 to index
          %get3A_232 = arith.index_cast %add3A_229 : i32 to index
          %get3A_233 = tpu.vector_load %arg8[%get3A_231, %get3A_232] {strides = array<i32>} : memref<2x25600xi32, #tpu.memory_space<vmem>>, vector<16xi32>,
          %eq3A_234 = arith.cmpi eq, %get3A_233, %get3A_1 : vector<16xi32>
          %or3A_235 = arith.ori %or3A_227, %eq3A_234 : vector<16xi1>
          %add3A_236 = arith.constant 288 : i32
          %add3A_237 = arith.addi %mul3A_95, %add3A_236 : i32
          %get3A_238 = arith.constant 1 : i32
          %get3A_239 = arith.index_cast %get3A_238 : i32 to index
          %get3A_240 = arith.index_cast %add3A_237 : i32 to index
          %get3A_241 = tpu.vector_load %arg8[%get3A_239, %get3A_240] {strides = array<i32>} : memref<2x25600xi32, #tpu.memory_space<vmem>>, vector<16xi32>,
          %eq3A_242 = arith.cmpi eq, %get3A_241, %get3A_1 : vector<16xi32>
          %or3A_243 = arith.ori %or3A_235, %eq3A_242 : vector<16xi1>
          %add3A_244 = arith.constant 304 : i32
          %add3A_245 = arith.addi %mul3A_95, %add3A_244 : i32
          %get3A_246 = arith.constant 1 : i32
          %get3A_247 = arith.index_cast %get3A_246 : i32 to index
          %get3A_248 = arith.index_cast %add3A_245 : i32 to index
          %get3A_249 = tpu.vector_load %arg8[%get3A_247, %get3A_248] {strides = array<i32>} : memref<2x25600xi32, #tpu.memory_space<vmem>>, vector<16xi32>,
          %eq3A_250 = arith.cmpi eq, %get3A_249, %get3A_1 : vector<16xi32>
          %or3A_251 = arith.ori %or3A_243, %eq3A_250 : vector<16xi1>
          %add3A_252 = arith.constant 320 : i32
          %add3A_253 = arith.addi %mul3A_95, %add3A_252 : i32
          %get3A_254 = arith.constant 1 : i32
          %get3A_255 = arith.index_cast %get3A_254 : i32 to index
          %get3A_256 = arith.index_cast %add3A_253 : i32 to index
          %get3A_257 = tpu.vector_load %arg8[%get3A_255, %get3A_256] {strides = array<i32>} : memref<2x25600xi32, #tpu.memory_space<vmem>>, vector<16xi32>,
          %eq3A_258 = arith.cmpi eq, %get3A_257, %get3A_1 : vector<16xi32>
          %or3A_259 = arith.ori %or3A_251, %eq3A_258 : vector<16xi1>
          %add3A_260 = arith.constant 336 : i32
          %add3A_261 = arith.addi %mul3A_95, %add3A_260 : i32
          %get3A_262 = arith.constant 1 : i32
          %get3A_263 = arith.index_cast %get3A_262 : i32 to index
          %get3A_264 = arith.index_cast %add3A_261 : i32 to index
          %get3A_265 = tpu.vector_load %arg8[%get3A_263, %get3A_264] {strides = array<i32>} : memref<2x25600xi32, #tpu.memory_space<vmem>>, vector<16xi32>,
          %eq3A_266 = arith.cmpi eq, %get3A_265, %get3A_1 : vector<16xi32>
          %or3A_267 = arith.ori %or3A_259, %eq3A_266 : vector<16xi1>
          %add3A_268 = arith.constant 352 : i32
          %add3A_269 = arith.addi %mul3A_95, %add3A_268 : i32
          %get3A_270 = arith.constant 1 : i32
          %get3A_271 = arith.index_cast %get3A_270 : i32 to index
          %get3A_272 = arith.index_cast %add3A_269 : i32 to index
          %get3A_273 = tpu.vector_load %arg8[%get3A_271, %get3A_272] {strides = array<i32>} : memref<2x25600xi32, #tpu.memory_space<vmem>>, vector<16xi32>,
          %eq3A_274 = arith.cmpi eq, %get3A_273, %get3A_1 : vector<16xi32>
          %or3A_275 = arith.ori %or3A_267, %eq3A_274 : vector<16xi1>
          %add3A_276 = arith.constant 368 : i32
          %add3A_277 = arith.addi %mul3A_95, %add3A_276 : i32
          %get3A_278 = arith.constant 1 : i32
          %get3A_279 = arith.index_cast %get3A_278 : i32 to index
          %get3A_280 = arith.index_cast %add3A_277 : i32 to index
          %get3A_281 = tpu.vector_load %arg8[%get3A_279, %get3A_280] {strides = array<i32>} : memref<2x25600xi32, #tpu.memory_space<vmem>>, vector<16xi32>,
          %eq3A_282 = arith.cmpi eq, %get3A_281, %get3A_1 : vector<16xi32>
          %or3A_283 = arith.ori %or3A_275, %eq3A_282 : vector<16xi1>
          %add3A_284 = arith.constant 384 : i32
          %add3A_285 = arith.addi %mul3A_95, %add3A_284 : i32
          %get3A_286 = arith.constant 1 : i32
          %get3A_287 = arith.index_cast %get3A_286 : i32 to index
          %get3A_288 = arith.index_cast %add3A_285 : i32 to index
          %get3A_289 = tpu.vector_load %arg8[%get3A_287, %get3A_288] {strides = array<i32>} : memref<2x25600xi32, #tpu.memory_space<vmem>>, vector<16xi32>,
          %eq3A_290 = arith.cmpi eq, %get3A_289, %get3A_1 : vector<16xi32>
          %or3A_291 = arith.ori %or3A_283, %eq3A_290 : vector<16xi1>
          %add3A_292 = arith.constant 400 : i32
          %add3A_293 = arith.addi %mul3A_95, %add3A_292 : i32
          %get3A_294 = arith.constant 1 : i32
          %get3A_295 = arith.index_cast %get3A_294 : i32 to index
          %get3A_296 = arith.index_cast %add3A_293 : i32 to index
          %get3A_297 = tpu.vector_load %arg8[%get3A_295, %get3A_296] {strides = array<i32>} : memref<2x25600xi32, #tpu.memory_space<vmem>>, vector<16xi32>,
          %eq3A_298 = arith.cmpi eq, %get3A_297, %get3A_1 : vector<16xi32>
          %or3A_299 = arith.ori %or3A_291, %eq3A_298 : vector<16xi1>
          %add3A_300 = arith.constant 416 : i32
          %add3A_301 = arith.addi %mul3A_95, %add3A_300 : i32
          %get3A_302 = arith.constant 1 : i32
          %get3A_303 = arith.index_cast %get3A_302 : i32 to index
          %get3A_304 = arith.index_cast %add3A_301 : i32 to index
          %get3A_305 = tpu.vector_load %arg8[%get3A_303, %get3A_304] {strides = array<i32>} : memref<2x25600xi32, #tpu.memory_space<vmem>>, vector<16xi32>,
          %eq3A_306 = arith.cmpi eq, %get3A_305, %get3A_1 : vector<16xi32>
          %or3A_307 = arith.ori %or3A_299, %eq3A_306 : vector<16xi1>
          %add3A_308 = arith.constant 432 : i32
          %add3A_309 = arith.addi %mul3A_95, %add3A_308 : i32
          %get3A_310 = arith.constant 1 : i32
          %get3A_311 = arith.index_cast %get3A_310 : i32 to index
          %get3A_312 = arith.index_cast %add3A_309 : i32 to index
          %get3A_313 = tpu.vector_load %arg8[%get3A_311, %get3A_312] {strides = array<i32>} : memref<2x25600xi32, #tpu.memory_space<vmem>>, vector<16xi32>,
          %eq3A_314 = arith.cmpi eq, %get3A_313, %get3A_1 : vector<16xi32>
          %or3A_315 = arith.ori %or3A_307, %eq3A_314 : vector<16xi1>
          %add3A_316 = arith.constant 448 : i32
          %add3A_317 = arith.addi %mul3A_95, %add3A_316 : i32
          %get3A_318 = arith.constant 1 : i32
          %get3A_319 = arith.index_cast %get3A_318 : i32 to index
          %get3A_320 = arith.index_cast %add3A_317 : i32 to index
          %get3A_321 = tpu.vector_load %arg8[%get3A_319, %get3A_320] {strides = array<i32>} : memref<2x25600xi32, #tpu.memory_space<vmem>>, vector<16xi32>,
          %eq3A_322 = arith.cmpi eq, %get3A_321, %get3A_1 : vector<16xi32>
          %or3A_323 = arith.ori %or3A_315, %eq3A_322 : vector<16xi1>
          %add3A_324 = arith.constant 464 : i32
          %add3A_325 = arith.addi %mul3A_95, %add3A_324 : i32
          %get3A_326 = arith.constant 1 : i32
          %get3A_327 = arith.index_cast %get3A_326 : i32 to index
          %get3A_328 = arith.index_cast %add3A_325 : i32 to index
          %get3A_329 = tpu.vector_load %arg8[%get3A_327, %get3A_328] {strides = array<i32>} : memref<2x25600xi32, #tpu.memory_space<vmem>>, vector<16xi32>,
          %eq3A_330 = arith.cmpi eq, %get3A_329, %get3A_1 : vector<16xi32>
          %or3A_331 = arith.ori %or3A_323, %eq3A_330 : vector<16xi1>
          %add3A_332 = arith.constant 480 : i32
          %add3A_333 = arith.addi %mul3A_95, %add3A_332 : i32
          %get3A_334 = arith.constant 1 : i32
          %get3A_335 = arith.index_cast %get3A_334 : i32 to index
          %get3A_336 = arith.index_cast %add3A_333 : i32 to index
          %get3A_337 = tpu.vector_load %arg8[%get3A_335, %get3A_336] {strides = array<i32>} : memref<2x25600xi32, #tpu.memory_space<vmem>>, vector<16xi32>,
          %eq3A_338 = arith.cmpi eq, %get3A_337, %get3A_1 : vector<16xi32>
          %or3A_339 = arith.ori %or3A_331, %eq3A_338 : vector<16xi1>
          %add3A_340 = arith.constant 496 : i32
          %add3A_341 = arith.addi %mul3A_95, %add3A_340 : i32
          %get3A_342 = arith.constant 1 : i32
          %get3A_343 = arith.index_cast %get3A_342 : i32 to index
          %get3A_344 = arith.index_cast %add3A_341 : i32 to index
          %get3A_345 = tpu.vector_load %arg8[%get3A_343, %get3A_344] {strides = array<i32>} : memref<2x25600xi32, #tpu.memory_space<vmem>>, vector<16xi32>,
          %eq3A_346 = arith.cmpi eq, %get3A_345, %get3A_1 : vector<16xi32>
          %or3A_347 = arith.ori %or3A_339, %eq3A_346 : vector<16xi1>
          %jit3A = arith.constant 1 : i32
          %jit3A_348 = arith.constant 0 : i32
          %broadcast_in_dim3A = vector.broadcast %jit3A : i32 to vector<16xi32>
          %broadcast_in_dim3A_349 = vector.broadcast %jit3A_348 : i32 to vector<16xi32>
          %select_n3A = arith.select %or3A_347, %broadcast_in_dim3A, %broadcast_in_dim3A_349 : vector<16xi1>, vector<16xi32>
          %reduce_sum3A = arith.constant true
          %reduce_sum3A_350 = vector.broadcast %reduce_sum3A : i1 to vector<16xi1>
          %reduce_sum3A_351 = tpu.scan <sum>, %select_n3A masked %reduce_sum3A_350 : vector<16xi32>, vector<16xi1> -> vector<16xi32>
          %reduce_sum3A_352 = vector.extract %reduce_sum3A_351[15] : i32 from vector<16xi32>
          %gt3A = arith.constant 0 : i32
          %gt3A_353 = arith.cmpi sgt, %reduce_sum3A_352, %gt3A : i32
          %convert_element_type3A_354 = arith.extui %gt3A_353 : i1 to i32
          %cond3A_355 = arith.constant 0 : i32
          %cond3A_356 = arith.cmpi ne, %convert_element_type3A_354, %cond3A_355 : i32
          scf.if %cond3A_356 {
            %scan3A_358 = arith.constant 0 : i32
            %scan3A_359 = arith.constant 0 : i32
            %scan3A_360 = arith.constant 32 : i32
            %scan3A_361 = arith.addi %scan3A_359, %scan3A_360 : i32
            %scan3A_362 = arith.constant 1 : i32
            %scan3A_363 = scf.for %scan3A_365 = %scan3A_359 to %scan3A_361 step %scan3A_362 iter_args(%scan3A_366 = %scan3A_358) -> (i32)  : i32 {
              %mul3A_367 = arith.constant 16 : i32
              %mul3A_368 = arith.muli %scan3A_365, %mul3A_367 : i32
              %add3A_369 = arith.addi %mul3A_95, %mul3A_368 : i32
              %get3A_370 = arith.constant 1 : i32
              %get3A_371 = arith.index_cast %get3A_370 : i32 to index
              %get3A_372 = arith.index_cast %add3A_369 : i32 to index
              %get3A_373 = tpu.vector_load %arg8[%get3A_371, %get3A_372] {strides = array<i32>} : memref<2x25600xi32, #tpu.memory_space<vmem>>, vector<16xi32>,
              %eq3A_374 = arith.cmpi eq, %get3A_373, %get3A_1 : vector<16xi32>
              %jit3A_375 = arith.constant 1 : i32
              %jit3A_376 = arith.constant 0 : i32
              %broadcast_in_dim3A_377 = vector.broadcast %jit3A_375 : i32 to vector<16xi32>
              %broadcast_in_dim3A_378 = vector.broadcast %jit3A_376 : i32 to vector<16xi32>
              %select_n3A_379 = arith.select %eq3A_374, %broadcast_in_dim3A_377, %broadcast_in_dim3A_378 : vector<16xi1>, vector<16xi32>
              %reduce_sum3A_380 = arith.constant true
              %reduce_sum3A_381 = vector.broadcast %reduce_sum3A_380 : i1 to vector<16xi1>
              %reduce_sum3A_382 = tpu.scan <sum>, %select_n3A_379 masked %reduce_sum3A_381 : vector<16xi32>, vector<16xi1> -> vector<16xi32>
              %reduce_sum3A_383 = vector.extract %reduce_sum3A_382[15] : i32 from vector<16xi32>
              %gt3A_384 = arith.constant 0 : i32
              %gt3A_385 = arith.cmpi sgt, %reduce_sum3A_383, %gt3A_384 : i32
              %convert_element_type3A_386 = arith.extui %gt3A_385 : i1 to i32
              %cond3A_387 = arith.constant 0 : i32
              %cond3A_388 = arith.cmpi ne, %convert_element_type3A_386, %cond3A_387 : i32
              scf.if %cond3A_388 {
                %mul3A_390 = arith.constant 25600 : i32
                %mul3A_391 = arith.muli %add3A_66, %mul3A_390 : i32
                %add3A_392 = arith.addi %mul3A_391, %add3A_369 : i32
                %jit3A_393 = arith.constant 128 : i32
                %div3A = arith.divsi %add3A_392, %jit3A_393 : i32
                %sign3A = arith.constant 0 : i32
                %sign3A_394 = arith.cmpi sgt, %add3A_392, %sign3A : i32
                %sign3A_395 = arith.extui %sign3A_394 : i1 to i32
                %sign3A_396 = arith.constant 0 : i32
                %sign3A_397 = arith.cmpi slt, %add3A_392, %sign3A_396 : i32
                %sign3A_398 = arith.extui %sign3A_397 : i1 to i32
                %sign3A_399 = arith.subi %sign3A_395, %sign3A_398 : i32
                %sign3A_400 = arith.constant 0 : i32
                %sign3A_401 = arith.cmpi sgt, %jit3A_393, %sign3A_400 : i32
                %sign3A_402 = arith.extui %sign3A_401 : i1 to i32
                %sign3A_403 = arith.constant 0 : i32
                %sign3A_404 = arith.cmpi slt, %jit3A_393, %sign3A_403 : i32
                %sign3A_405 = arith.extui %sign3A_404 : i1 to i32
                %sign3A_406 = arith.subi %sign3A_402, %sign3A_405 : i32
                %ne3A = arith.cmpi ne, %sign3A_399, %sign3A_406 : i32
                %rem3A = arith.remsi %add3A_392, %jit3A_393 : i32
                %ne3A_407 = arith.constant 0 : i32
                %ne3A_408 = arith.cmpi ne, %rem3A, %ne3A_407 : i32
                %and3A = arith.andi %ne3A, %ne3A_408 : i1
                %sub3A = arith.constant 1 : i32
                %sub3A_409 = arith.subi %div3A, %sub3A : i32
                %select_n3A_410 = arith.select %and3A, %sub3A_409, %div3A : i32
                %rem3A_411 = arith.constant 128 : i32
                %rem3A_412 = arith.remsi %add3A_392, %rem3A_411 : i32
                %jit3A_413 = arith.constant 8 : i32
                %div3A_414 = arith.divsi %select_n3A_410, %jit3A_413 : i32
                %sign3A_415 = arith.constant 0 : i32
                %sign3A_416 = arith.cmpi sgt, %select_n3A_410, %sign3A_415 : i32
                %sign3A_417 = arith.extui %sign3A_416 : i1 to i32
                %sign3A_418 = arith.constant 0 : i32
                %sign3A_419 = arith.cmpi slt, %select_n3A_410, %sign3A_418 : i32
                %sign3A_420 = arith.extui %sign3A_419 : i1 to i32
                %sign3A_421 = arith.subi %sign3A_417, %sign3A_420 : i32
                %sign3A_422 = arith.constant 0 : i32
                %sign3A_423 = arith.cmpi sgt, %jit3A_413, %sign3A_422 : i32
                %sign3A_424 = arith.extui %sign3A_423 : i1 to i32
                %sign3A_425 = arith.constant 0 : i32
                %sign3A_426 = arith.cmpi slt, %jit3A_413, %sign3A_425 : i32
                %sign3A_427 = arith.extui %sign3A_426 : i1 to i32
                %sign3A_428 = arith.subi %sign3A_424, %sign3A_427 : i32
                %ne3A_429 = arith.cmpi ne, %sign3A_421, %sign3A_428 : i32
                %rem3A_430 = arith.remsi %select_n3A_410, %jit3A_413 : i32
                %ne3A_431 = arith.constant 0 : i32
                %ne3A_432 = arith.cmpi ne, %rem3A_430, %ne3A_431 : i32
                %and3A_433 = arith.andi %ne3A_429, %ne3A_432 : i1
                %sub3A_434 = arith.constant 1 : i32
                %sub3A_435 = arith.subi %div3A_414, %sub3A_434 : i32
                %select_n3A_436 = arith.select %and3A_433, %sub3A_435, %div3A_414 : i32
                %mul3A_437 = arith.constant 8 : i32
                %mul3A_438 = arith.muli %select_n3A_436, %mul3A_437 : i32
                %dma_start3A = arith.constant 0 : i32
                %dma_start3A_439 = tpu.memref_slice %arg4[%mul3A_438, %dma_start3A] : memref<25000x128xf32, #tpu.memory_space<hbm>> -> memref<8x128xf32, #tpu.memory_space<hbm>>
                %dma_start3A_440 = arith.constant 0 : i32
                %dma_start3A_441 = tpu.memref_slice %arg4[%mul3A_438, %dma_start3A_440] : memref<25000x128xf32, #tpu.memory_space<hbm>> -> memref<8x128xf32, #tpu.memory_space<hbm>>
                tpu.enqueue_dma source(%dma_start3A_441 : memref<8x128xf32, #tpu.memory_space<hbm>>) target(%arg9 : memref<8x128xf32, #tpu.memory_space<vmem>>) target_semaphore(%arg16 : memref<!tpu.dma_semaphore, #tpu.memory_space<semaphore_mem>>)
                %dma_wait3A_442 = arith.constant 0 : i32
                %dma_wait3A_443 = tpu.memref_slice %arg4[%mul3A_438, %dma_wait3A_442] : memref<25000x128xf32, #tpu.memory_space<hbm>> -> memref<8x128xf32, #tpu.memory_space<hbm>>
                %dma_wait3A_444 = arith.constant 0 : i32
                %dma_wait3A_445 = tpu.memref_slice %arg4[%mul3A_438, %dma_wait3A_444] : memref<25000x128xf32, #tpu.memory_space<hbm>> -> memref<8x128xf32, #tpu.memory_space<hbm>>
                tpu.wait_dma2 semaphore(%arg16 : memref<!tpu.dma_semaphore, #tpu.memory_space<semaphore_mem>>) src(%dma_wait3A_445 : memref<8x128xf32, #tpu.memory_space<hbm>>) dst(%arg9 : memref<8x128xf32, #tpu.memory_space<vmem>>)
                %sub3A_446 = arith.subi %select_n3A_410, %mul3A_438 : i32
                %broadcast_in_dim3A_447 = vector.broadcast %sub3A_446 : i32 to vector<16xi32>
                %iota3A = tpu.iota {dimensions = array<i32: 0>} : vector<16xi32>
                %add3A_448 = vector.broadcast %rem3A_412 : i32 to vector<16xi32>
                %add3A_449 = arith.addi %add3A_448, %iota3A : vector<16xi32>
                %gather3A = tpu.vector_load_idx %arg9[%broadcast_in_dim3A_447, %add3A_449] : memref<8x128xf32, #tpu.memory_space<vmem>>[vector<16xi32>, vector<16xi32>], vector<16xf32>,
                %jit3A_450 = arith.constant 0.000000e+00 : f32
                %broadcast_in_dim3A_451 = vector.broadcast %jit3A_450 : f32 to vector<16xf32>
                %select_n3A_452 = arith.select %eq3A_374, %gather3A, %broadcast_in_dim3A_451 : vector<16xi1>, vector<16xf32>
                %get3A_453 = arith.constant 0 : i32
                %get3A_454 = arith.index_cast %get3A_453 : i32 to index
                %get3A_455 = arith.index_cast %add3A_369 : i32 to index
                %get3A_456 = tpu.vector_load %arg8[%get3A_454, %get3A_455] {strides = array<i32>} : memref<2x25600xi32, #tpu.memory_space<vmem>>, vector<16xi32>,
                %swap3A = arith.constant 0 : index
                %swap3A_457 = tpu.vector_load %arg11[%swap3A] {strides = array<i32>} : memref<16xi32, #tpu.memory_space<vmem>>, vector<16xi32>,
                tpu.vector_store %arg11[%swap3A], %get3A_456 {strides = array<i32>} : memref<16xi32, #tpu.memory_space<vmem>>, vector<16xi32>,
                %swap3A_458 = arith.constant 0 : index
                %swap3A_459 = tpu.vector_load %arg12[%swap3A_458] {strides = array<i32>} : memref<16xf32, #tpu.memory_space<vmem>>, vector<16xf32>,
                tpu.vector_store %arg12[%swap3A_458], %select_n3A_452 {strides = array<i32>} : memref<16xf32, #tpu.memory_space<vmem>>, vector<16xf32>,
                "tpu.region"() ({
                  %run_scoped3A = tpu.sem_alloc : memref<!tpu.dma_semaphore, #tpu.memory_space<semaphore_mem>>
                  %dma_start3A_460 = arith.constant 0 : i32
                  %dma_start3A_461 = tpu.memref_slice %arg13[%dma_start3A_460] : memref<100000xf32, #tpu.memory_space<vmem_shared>> -> memref<100000xf32, #tpu.memory_space<vmem_shared>>
                  tpu.enqueue_indirect_dma source(%arg12 : memref<16xf32, #tpu.memory_space<vmem>>) target(%dma_start3A_461 : memref<100000xf32, #tpu.memory_space<vmem_shared>>) offsets(%arg11 : memref<16xi32, #tpu.memory_space<vmem>>) semaphore(%run_scoped3A : memref<!tpu.dma_semaphore, #tpu.memory_space<semaphore_mem>>) {add = true}
                  %dma_wait3A_462 = arith.constant 0 : i32
                  %dma_wait3A_463 = tpu.memref_slice %arg13[%dma_wait3A_462] : memref<100000xf32, #tpu.memory_space<vmem_shared>> -> memref<100000xf32, #tpu.memory_space<vmem_shared>>
                  tpu.wait_indirect_dma semaphore(%run_scoped3A : memref<!tpu.dma_semaphore, #tpu.memory_space<semaphore_mem>>) src(%arg12 : memref<16xf32, #tpu.memory_space<vmem>>) dst(%dma_wait3A_463 : memref<100000xf32, #tpu.memory_space<vmem_shared>>)
                  tpu.yield
                }) : () -> ()
              } else {
              }
              %scan3A_389 = arith.constant 0 : i32
              scf.yield %scan3A_389 : i32
            }
            %scan3A_364 = arith.constant 32 : i32
          } else {
          }
          %scan3A_357 = arith.constant 0 : i32
          scf.yield %scan3A_357 : i32
        }
        %scan3A_84 = arith.constant 50 : i32
        %add3A_85 = arith.constant 64 : i32
        %add3A_86 = arith.addi %add3A_66, %add3A_85 : i32
        %lt3A_87 = arith.constant 125 : i32
        %lt3A_88 = arith.cmpi slt, %add3A_86, %lt3A_87 : i32
        %convert_element_type3A_89 = arith.extui %lt3A_88 : i1 to i32
        %cond3A_90 = arith.constant 0 : i32
        %cond3A_91 = arith.cmpi ne, %convert_element_type3A_89, %cond3A_90 : i32
        scf.if %cond3A_91 {
          %mul3A_92 = arith.constant 25600 : i32
          %mul3A_93 = arith.muli %add3A_86, %mul3A_92 : i32
          %dma_start3A = arith.constant 0 : i32
          %dma_start3A_94 = tpu.memref_slice %arg3[%dma_start3A, %mul3A_93] : memref<2x3200000xi32, #tpu.memory_space<hbm>> -> memref<2x25600xi32, #tpu.memory_space<hbm>>
          %dma_start3A_95 = arith.constant 0 : i32
          %dma_start3A_96 = tpu.memref_slice %arg3[%dma_start3A_95, %mul3A_93] : memref<2x3200000xi32, #tpu.memory_space<hbm>> -> memref<2x25600xi32, #tpu.memory_space<hbm>>
          tpu.enqueue_dma source(%dma_start3A_96 : memref<2x25600xi32, #tpu.memory_space<hbm>>) target(%arg8 : memref<2x25600xi32, #tpu.memory_space<vmem>>) target_semaphore(%arg15 : memref<!tpu.dma_semaphore, #tpu.memory_space<semaphore_mem>>)
        } else {
        }
      } else {
      }
      %scan3A_72 = arith.constant 0 : i32
      scf.yield %scan3A_72 : i32
    }
    %scan3A_34 = arith.constant 2 : i32
    %barrier3A_35 = arith.constant 0 : index
    tpu.barrier barrier_id(%barrier3A_35)
    %lt3A_36 = arith.constant 15 : i32
    %lt3A_37 = arith.cmpi slt, %arg1, %lt3A_36 : i32
    %convert_element_type3A_38 = arith.extui %lt3A_37 : i1 to i32
    %cond3A_39 = arith.constant 0 : i32
    %cond3A_40 = arith.cmpi ne, %convert_element_type3A_38, %cond3A_39 : i32
    scf.if %cond3A_40 {
      "tpu.region"() ({
        %run_scoped3A = tpu.sem_alloc : memref<!tpu.dma_semaphore, #tpu.memory_space<semaphore_mem>>
        %dma_start3A = tpu.memref_slice %arg13[%mul3A_18] : memref<100000xf32, #tpu.memory_space<vmem_shared>> -> memref<6256xf32, #tpu.memory_space<vmem_shared>>
        %dma_start3A_49 = tpu.memref_slice %arg13[%mul3A_18] : memref<100000xf32, #tpu.memory_space<vmem_shared>> -> memref<6256xf32, #tpu.memory_space<vmem_shared>>
        tpu.enqueue_dma source(%dma_start3A_49 : memref<6256xf32, #tpu.memory_space<vmem_shared>>) target(%arg10 : memref<6256xf32, #tpu.memory_space<vmem>>) target_semaphore(%run_scoped3A : memref<!tpu.dma_semaphore, #tpu.memory_space<semaphore_mem>>)
        %dma_wait3A = tpu.memref_slice %arg13[%mul3A_18] : memref<100000xf32, #tpu.memory_space<vmem_shared>> -> memref<6256xf32, #tpu.memory_space<vmem_shared>>
        %dma_wait3A_50 = tpu.memref_slice %arg13[%mul3A_18] : memref<100000xf32, #tpu.memory_space<vmem_shared>> -> memref<6256xf32, #tpu.memory_space<vmem_shared>>
        tpu.wait_dma2 semaphore(%run_scoped3A : memref<!tpu.dma_semaphore, #tpu.memory_space<semaphore_mem>>) src(%dma_wait3A_50 : memref<6256xf32, #tpu.memory_space<vmem_shared>>) dst(%arg10 : memref<6256xf32, #tpu.memory_space<vmem>>)
        tpu.yield
      }) : () -> ()
      %mul3A_46 = arith.constant 100000 : i32
      %mul3A_47 = arith.muli %arg0, %mul3A_46 : i32
      %add3A_48 = arith.addi %mul3A_47, %mul3A_18 : i32
      "tpu.region"() ({
        %run_scoped3A = tpu.sem_alloc : memref<!tpu.dma_semaphore, #tpu.memory_space<semaphore_mem>>
        %dma_start3A = tpu.memref_slice %arg5[%add3A_48] : memref<200000xf32, #tpu.memory_space<hbm>> -> memref<6256xf32, #tpu.memory_space<hbm>>
        %dma_start3A_49 = tpu.memref_slice %arg5[%add3A_48] : memref<200000xf32, #tpu.memory_space<hbm>> -> memref<6256xf32, #tpu.memory_space<hbm>>
        tpu.enqueue_dma source(%arg10 : memref<6256xf32, #tpu.memory_space<vmem>>) target(%dma_start3A_49 : memref<6256xf32, #tpu.memory_space<hbm>>) target_semaphore(%run_scoped3A : memref<!tpu.dma_semaphore, #tpu.memory_space<semaphore_mem>>)
        %dma_wait3A = tpu.memref_slice %arg5[%add3A_48] : memref<200000xf32, #tpu.memory_space<hbm>> -> memref<6256xf32, #tpu.memory_space<hbm>>
        %dma_wait3A_50 = tpu.memref_slice %arg5[%add3A_48] : memref<200000xf32, #tpu.memory_space<hbm>> -> memref<6256xf32, #tpu.memory_space<hbm>>
        tpu.wait_dma2 semaphore(%run_scoped3A : memref<!tpu.dma_semaphore, #tpu.memory_space<semaphore_mem>>) src(%arg10 : memref<6256xf32, #tpu.memory_space<vmem>>) dst(%dma_wait3A_50 : memref<6256xf32, #tpu.memory_space<hbm>>)
        tpu.yield
      }) : () -> ()
    } else {
    }
    %eq3A_41 = arith.constant 15 : i32
    %eq3A_42 = arith.cmpi eq, %arg1, %eq3A_41 : i32
    %convert_element_type3A_43 = arith.extui %eq3A_42 : i1 to i32
    %cond3A_44 = arith.constant 0 : i32
    %cond3A_45 = arith.cmpi ne, %convert_element_type3A_43, %cond3A_44 : i32
    scf.if %cond3A_45 {
      "tpu.region"() ({
        %run_scoped3A = tpu.sem_alloc : memref<!tpu.dma_semaphore, #tpu.memory_space<semaphore_mem>>
        %dma_start3A = arith.constant 0 : i32
        %dma_start3A_49 = tpu.memref_slice %arg10[%dma_start3A] : memref<6256xf32, #tpu.memory_space<vmem>> -> memref<6160xf32, #tpu.memory_space<vmem>>
        %dma_start3A_50 = tpu.memref_slice %arg13[%mul3A_18] : memref<100000xf32, #tpu.memory_space<vmem_shared>> -> memref<6160xf32, #tpu.memory_space<vmem_shared>>
        %dma_start3A_51 = arith.constant 0 : i32
        %dma_start3A_52 = tpu.memref_slice %arg10[%dma_start3A_51] : memref<6256xf32, #tpu.memory_space<vmem>> -> memref<6160xf32, #tpu.memory_space<vmem>>
        %dma_start3A_53 = tpu.memref_slice %arg13[%mul3A_18] : memref<100000xf32, #tpu.memory_space<vmem_shared>> -> memref<6160xf32, #tpu.memory_space<vmem_shared>>
        tpu.enqueue_dma source(%dma_start3A_53 : memref<6160xf32, #tpu.memory_space<vmem_shared>>) target(%dma_start3A_52 : memref<6160xf32, #tpu.memory_space<vmem>>) target_semaphore(%run_scoped3A : memref<!tpu.dma_semaphore, #tpu.memory_space<semaphore_mem>>)
        %dma_wait3A = arith.constant 0 : i32
        %dma_wait3A_54 = tpu.memref_slice %arg10[%dma_wait3A] : memref<6256xf32, #tpu.memory_space<vmem>> -> memref<6160xf32, #tpu.memory_space<vmem>>
        %dma_wait3A_55 = tpu.memref_slice %arg13[%mul3A_18] : memref<100000xf32, #tpu.memory_space<vmem_shared>> -> memref<6160xf32, #tpu.memory_space<vmem_shared>>
        %dma_wait3A_56 = arith.constant 0 : i32
        %dma_wait3A_57 = tpu.memref_slice %arg10[%dma_wait3A_56] : memref<6256xf32, #tpu.memory_space<vmem>> -> memref<6160xf32, #tpu.memory_space<vmem>>
        %dma_wait3A_58 = tpu.memref_slice %arg13[%mul3A_18] : memref<100000xf32, #tpu.memory_space<vmem_shared>> -> memref<6160xf32, #tpu.memory_space<vmem_shared>>
        tpu.wait_dma2 semaphore(%run_scoped3A : memref<!tpu.dma_semaphore, #tpu.memory_space<semaphore_mem>>) src(%dma_wait3A_58 : memref<6160xf32, #tpu.memory_space<vmem_shared>>) dst(%dma_wait3A_57 : memref<6160xf32, #tpu.memory_space<vmem>>)
        tpu.yield
      }) : () -> ()
      %mul3A_46 = arith.constant 100000 : i32
      %mul3A_47 = arith.muli %arg0, %mul3A_46 : i32
      %add3A_48 = arith.addi %mul3A_47, %mul3A_18 : i32
      "tpu.region"() ({
        %run_scoped3A = tpu.sem_alloc : memref<!tpu.dma_semaphore, #tpu.memory_space<semaphore_mem>>
        %dma_start3A = arith.constant 0 : i32
        %dma_start3A_49 = tpu.memref_slice %arg10[%dma_start3A] : memref<6256xf32, #tpu.memory_space<vmem>> -> memref<6160xf32, #tpu.memory_space<vmem>>
        %dma_start3A_50 = tpu.memref_slice %arg5[%add3A_48] : memref<200000xf32, #tpu.memory_space<hbm>> -> memref<6160xf32, #tpu.memory_space<hbm>>
        %dma_start3A_51 = tpu.memref_slice %arg5[%add3A_48] : memref<200000xf32, #tpu.memory_space<hbm>> -> memref<6160xf32, #tpu.memory_space<hbm>>
        %dma_start3A_52 = arith.constant 0 : i32
        %dma_start3A_53 = tpu.memref_slice %arg10[%dma_start3A_52] : memref<6256xf32, #tpu.memory_space<vmem>> -> memref<6160xf32, #tpu.memory_space<vmem>>
        tpu.enqueue_dma source(%dma_start3A_53 : memref<6160xf32, #tpu.memory_space<vmem>>) target(%dma_start3A_51 : memref<6160xf32, #tpu.memory_space<hbm>>) target_semaphore(%run_scoped3A : memref<!tpu.dma_semaphore, #tpu.memory_space<semaphore_mem>>)
        %dma_wait3A = arith.constant 0 : i32
        %dma_wait3A_54 = tpu.memref_slice %arg10[%dma_wait3A] : memref<6256xf32, #tpu.memory_space<vmem>> -> memref<6160xf32, #tpu.memory_space<vmem>>
        %dma_wait3A_55 = tpu.memref_slice %arg5[%add3A_48] : memref<200000xf32, #tpu.memory_space<hbm>> -> memref<6160xf32, #tpu.memory_space<hbm>>
        %dma_wait3A_56 = tpu.memref_slice %arg5[%add3A_48] : memref<200000xf32, #tpu.memory_space<hbm>> -> memref<6160xf32, #tpu.memory_space<hbm>>
        %dma_wait3A_57 = arith.constant 0 : i32
        %dma_wait3A_58 = tpu.memref_slice %arg10[%dma_wait3A_57] : memref<6256xf32, #tpu.memory_space<vmem>> -> memref<6160xf32, #tpu.memory_space<vmem>>
        tpu.wait_dma2 semaphore(%run_scoped3A : memref<!tpu.dma_semaphore, #tpu.memory_space<semaphore_mem>>) src(%dma_wait3A_58 : memref<6160xf32, #tpu.memory_space<vmem>>) dst(%dma_wait3A_56 : memref<6160xf32, #tpu.memory_space<hbm>>)
        tpu.yield
      }) : () -> ()
    } else {
    }
    return
  }
}

module attributes {stable_mosaic.version = 14 : i64} {
  func.func @_tc_all(%arg0: memref<1x1xi32, #tpu.memory_space<smem>>, %arg1: memref<2x100000xf32, #tpu.memory_space<vmem>>, %arg2: memref<16x100000xf32, #tpu.memory_space<vmem>>, %arg3: memref<1x64xf32, #tpu.memory_space<vmem>>, %arg4: memref<1x64xf32, #tpu.memory_space<vmem>>, %arg5: memref<16x64xf32, #tpu.memory_space<vmem>>, %arg6: memref<16x64xf32, #tpu.memory_space<vmem>>, %arg7: memref<1x64xf32, #tpu.memory_space<vmem>>, %arg8: memref<64x256xf32, #tpu.memory_space<vmem>>, %arg9: memref<64x256xf32, #tpu.memory_space<vmem>>, %arg10: memref<1x256xf32, #tpu.memory_space<vmem>>, %arg11: memref<32x128xf32, #tpu.memory_space<vmem>>, %arg12: memref<1x32xf32, #tpu.memory_space<vmem>>, %arg13: memref<4x32xf32, #tpu.memory_space<vmem>>, %arg14: memref<1x4xf32, #tpu.memory_space<vmem>>, %arg15: memref<1x4xf32, #tpu.memory_space<vmem>>, %arg16: memref<1x64xf32, #tpu.memory_space<vmem>>, %arg17: memref<1x64xf32, #tpu.memory_space<vmem>>) attributes {dimension_semantics = [], scalar_prefetch = 0 : i64, scratch_operands = 0 : i64, tpu.core_type = #tpu.core_type<tc>} {
    %get3A = arith.constant 0 : index
    %get3A_0 = arith.constant 0 : index
    %get3A_1 = memref.load %arg0[%get3A, %get3A_0] : memref<1x1xi32, #tpu.memory_space<smem>>
    %iota3A = tpu.iota {dimensions = array<i32: 1>} : vector<1x100000xi32>
    %eq3A = vector.broadcast %get3A_1 : i32 to vector<1x100000xi32>
    %eq3A_2 = arith.cmpi eq, %iota3A, %eq3A : vector<1x100000xi32>
    %jit3A = arith.constant 1.000000e+00 : f32
    %jit3A_3 = arith.constant 0.000000e+00 : f32
    %broadcast_in_dim3A = vector.broadcast %jit3A : f32 to vector<1x100000xf32>
    %broadcast_in_dim3A_4 = vector.broadcast %jit3A_3 : f32 to vector<1x100000xf32>
    %select_n3A = arith.select %eq3A_2, %broadcast_in_dim3A, %broadcast_in_dim3A_4 : vector<1x100000xi1>, vector<1x100000xf32>
    %get3A_5 = arith.constant 0 : index
    %get3A_6 = arith.constant 0 : index
    %get3A_7 = vector.load %arg1[%get3A_5, %get3A_6] : memref<2x100000xf32, #tpu.memory_space<vmem>>, vector<2x100000xf32>
    %concatenate3A = tpu.concatenate %get3A_7, %select_n3A in 0 : vector<2x100000xf32>, vector<1x100000xf32> -> vector<3x100000xf32>
    %get3A_8 = arith.constant 0 : index
    %get3A_9 = arith.constant 0 : index
    %get3A_10 = vector.load %arg2[%get3A_8, %get3A_9] : memref<16x100000xf32, #tpu.memory_space<vmem>>, vector<16x100000xf32>
    %dot_general3A = arith.constant dense<0.000000e+00> : vector<3x16xf32>
    %dot_general3A_11 = tpu.matmul %concatenate3A, %get3A_10, %dot_general3A {dimension_numbers = #tpu.dot_dimension_numbers<[1], [1], [0], [0], [0, 0, 1, 0], [], []>, precision = #tpu.contract_precision<fp32>, transpose_lhs_hint = false} : vector<3x100000xf32>, vector<16x100000xf32>, vector<3x16xf32> -> vector<3x16xf32>
    %slice3A = vector.extract_strided_slice %dot_general3A_11 {offsets = [0, 0], sizes = [1, 16], strides = [1, 1]} : vector<3x16xf32> to vector<1x16xf32>
    %slice3A_12 = vector.extract_strided_slice %dot_general3A_11 {offsets = [1, 0], sizes = [1, 16], strides = [1, 1]} : vector<3x16xf32> to vector<1x16xf32>
    %add3A = arith.addf %slice3A, %slice3A_12 : vector<1x16xf32>
    %slice3A_13 = vector.extract_strided_slice %dot_general3A_11 {offsets = [2, 0], sizes = [1, 16], strides = [1, 1]} : vector<3x16xf32> to vector<1x16xf32>
    %get3A_14 = arith.constant 0 : index
    %get3A_15 = arith.constant 0 : index
    %get3A_16 = vector.load %arg5[%get3A_14, %get3A_15] : memref<16x64xf32, #tpu.memory_space<vmem>>, vector<16x64xf32>
    %dot_general3A_17 = arith.constant dense<0.000000e+00> : vector<1x64xf32>
    %dot_general3A_18 = tpu.matmul %add3A, %get3A_16, %dot_general3A_17 {dimension_numbers = #tpu.dot_dimension_numbers<[1], [0], [0], [1], [0, 0, 1, 1], [], []>, transpose_lhs_hint = false} : vector<1x16xf32>, vector<16x64xf32>, vector<1x64xf32> -> vector<1x64xf32>
    %get3A_19 = arith.constant 0 : index
    %get3A_20 = arith.constant 0 : index
    %get3A_21 = vector.load %arg6[%get3A_19, %get3A_20] : memref<16x64xf32, #tpu.memory_space<vmem>>, vector<16x64xf32>
    %dot_general3A_22 = arith.constant dense<0.000000e+00> : vector<1x64xf32>
    %dot_general3A_23 = tpu.matmul %slice3A_13, %get3A_21, %dot_general3A_22 {dimension_numbers = #tpu.dot_dimension_numbers<[1], [0], [0], [1], [0, 0, 1, 1], [], []>, transpose_lhs_hint = false} : vector<1x16xf32>, vector<16x64xf32>, vector<1x64xf32> -> vector<1x64xf32>
    %add3A_24 = arith.addf %dot_general3A_18, %dot_general3A_23 : vector<1x64xf32>
    %get3A_25 = arith.constant 0 : index
    %get3A_26 = arith.constant 0 : index
    %get3A_27 = vector.load %arg7[%get3A_25, %get3A_26] : memref<1x64xf32, #tpu.memory_space<vmem>>, vector<1x64xf32>
    %add3A_28 = arith.addf %add3A_24, %get3A_27 : vector<1x64xf32>
    %max3A = arith.constant 0.000000e+00 : f32
    %max3A_29 = vector.broadcast %max3A : f32 to vector<1x64xf32>
    %max3A_30 = arith.maximumf %add3A_28, %max3A_29 : vector<1x64xf32>
    %get3A_31 = arith.constant 0 : index
    %get3A_32 = arith.constant 0 : index
    %get3A_33 = vector.load %arg8[%get3A_31, %get3A_32] : memref<64x256xf32, #tpu.memory_space<vmem>>, vector<64x256xf32>
    %dot_general3A_34 = arith.constant dense<0.000000e+00> : vector<1x256xf32>
    %dot_general3A_35 = tpu.matmul %max3A_30, %get3A_33, %dot_general3A_34 {dimension_numbers = #tpu.dot_dimension_numbers<[1], [0], [0], [1], [0, 0, 1, 1], [], []>, transpose_lhs_hint = false} : vector<1x64xf32>, vector<64x256xf32>, vector<1x256xf32> -> vector<1x256xf32>
    %get3A_36 = arith.constant 0 : index
    %get3A_37 = arith.constant 0 : index
    %get3A_38 = vector.load %arg3[%get3A_36, %get3A_37] : memref<1x64xf32, #tpu.memory_space<vmem>>, vector<1x64xf32>
    %get3A_39 = arith.constant 0 : index
    %get3A_40 = arith.constant 0 : index
    %get3A_41 = vector.load %arg9[%get3A_39, %get3A_40] : memref<64x256xf32, #tpu.memory_space<vmem>>, vector<64x256xf32>
    %dot_general3A_42 = arith.constant dense<0.000000e+00> : vector<1x256xf32>
    %dot_general3A_43 = tpu.matmul %get3A_38, %get3A_41, %dot_general3A_42 {dimension_numbers = #tpu.dot_dimension_numbers<[1], [0], [0], [1], [0, 0, 1, 1], [], []>, transpose_lhs_hint = false} : vector<1x64xf32>, vector<64x256xf32>, vector<1x256xf32> -> vector<1x256xf32>
    %add3A_44 = arith.addf %dot_general3A_35, %dot_general3A_43 : vector<1x256xf32>
    %get3A_45 = arith.constant 0 : index
    %get3A_46 = arith.constant 0 : index
    %get3A_47 = vector.load %arg10[%get3A_45, %get3A_46] : memref<1x256xf32, #tpu.memory_space<vmem>>, vector<1x256xf32>
    %add3A_48 = arith.addf %add3A_44, %get3A_47 : vector<1x256xf32>
    %slice3A_49 = vector.extract_strided_slice %add3A_48 {offsets = [0, 0], sizes = [1, 64], strides = [1, 1]} : vector<1x256xf32> to vector<1x64xf32>
    %logistic3A = arith.negf %slice3A_49 : vector<1x64xf32>
    %logistic3A_50 = math.exp %logistic3A : vector<1x64xf32>
    %logistic3A_51 = arith.constant 1.000000e+00 : f32
    %logistic3A_52 = vector.broadcast %logistic3A_51 : f32 to vector<1x64xf32>
    %logistic3A_53 = arith.addf %logistic3A_52, %logistic3A_50 : vector<1x64xf32>
    %logistic3A_54 = arith.divf %logistic3A_52, %logistic3A_53 : vector<1x64xf32>
    %slice3A_55 = vector.extract_strided_slice %add3A_48 {offsets = [0, 64], sizes = [1, 64], strides = [1, 1]} : vector<1x256xf32> to vector<1x64xf32>
    %logistic3A_56 = arith.negf %slice3A_55 : vector<1x64xf32>
    %logistic3A_57 = math.exp %logistic3A_56 : vector<1x64xf32>
    %logistic3A_58 = arith.constant 1.000000e+00 : f32
    %logistic3A_59 = vector.broadcast %logistic3A_58 : f32 to vector<1x64xf32>
    %logistic3A_60 = arith.addf %logistic3A_59, %logistic3A_57 : vector<1x64xf32>
    %logistic3A_61 = arith.divf %logistic3A_59, %logistic3A_60 : vector<1x64xf32>
    %slice3A_62 = vector.extract_strided_slice %add3A_48 {offsets = [0, 128], sizes = [1, 64], strides = [1, 1]} : vector<1x256xf32> to vector<1x64xf32>
    %tanh3A = math.tanh %slice3A_62 : vector<1x64xf32>
    %slice3A_63 = vector.extract_strided_slice %add3A_48 {offsets = [0, 192], sizes = [1, 64], strides = [1, 1]} : vector<1x256xf32> to vector<1x64xf32>
    %logistic3A_64 = arith.negf %slice3A_63 : vector<1x64xf32>
    %logistic3A_65 = math.exp %logistic3A_64 : vector<1x64xf32>
    %logistic3A_66 = arith.constant 1.000000e+00 : f32
    %logistic3A_67 = vector.broadcast %logistic3A_66 : f32 to vector<1x64xf32>
    %logistic3A_68 = arith.addf %logistic3A_67, %logistic3A_65 : vector<1x64xf32>
    %logistic3A_69 = arith.divf %logistic3A_67, %logistic3A_68 : vector<1x64xf32>
    %get3A_70 = arith.constant 0 : index
    %get3A_71 = arith.constant 0 : index
    %get3A_72 = vector.load %arg4[%get3A_70, %get3A_71] : memref<1x64xf32, #tpu.memory_space<vmem>>, vector<1x64xf32>
    %mul3A = arith.mulf %logistic3A_61, %get3A_72 : vector<1x64xf32>
    %mul3A_73 = arith.mulf %logistic3A_54, %tanh3A : vector<1x64xf32>
    %add3A_74 = arith.addf %mul3A, %mul3A_73 : vector<1x64xf32>
    %tanh3A_75 = math.tanh %add3A_74 : vector<1x64xf32>
    %mul3A_76 = arith.mulf %logistic3A_69, %tanh3A_75 : vector<1x64xf32>
    %concatenate3A_77 = tpu.concatenate %max3A_30, %mul3A_76 in 1 : vector<1x64xf32>, vector<1x64xf32> -> vector<1x128xf32>
    %get3A_78 = arith.constant 0 : index
    %get3A_79 = arith.constant 0 : index
    %get3A_80 = vector.load %arg11[%get3A_78, %get3A_79] : memref<32x128xf32, #tpu.memory_space<vmem>>, vector<32x128xf32>
    %dot_general3A_81 = arith.constant dense<0.000000e+00> : vector<1x32xf32>
    %dot_general3A_82 = tpu.matmul %concatenate3A_77, %get3A_80, %dot_general3A_81 {dimension_numbers = #tpu.dot_dimension_numbers<[1], [1], [0], [0], [0, 0, 1, 0], [], []>, transpose_lhs_hint = false} : vector<1x128xf32>, vector<32x128xf32>, vector<1x32xf32> -> vector<1x32xf32>
    %get3A_83 = arith.constant 0 : index
    %get3A_84 = arith.constant 0 : index
    %get3A_85 = vector.load %arg12[%get3A_83, %get3A_84] : memref<1x32xf32, #tpu.memory_space<vmem>>, vector<1x32xf32>
    %add3A_86 = arith.addf %dot_general3A_82, %get3A_85 : vector<1x32xf32>
    %get3A_87 = arith.constant 0 : index
    %get3A_88 = arith.constant 0 : index
    %get3A_89 = vector.load %arg13[%get3A_87, %get3A_88] : memref<4x32xf32, #tpu.memory_space<vmem>>, vector<4x32xf32>
    %dot_general3A_90 = arith.constant dense<0.000000e+00> : vector<1x4xf32>
    %dot_general3A_91 = tpu.matmul %add3A_86, %get3A_89, %dot_general3A_90 {dimension_numbers = #tpu.dot_dimension_numbers<[1], [1], [0], [0], [0, 0, 1, 0], [], []>, transpose_lhs_hint = false} : vector<1x32xf32>, vector<4x32xf32>, vector<1x4xf32> -> vector<1x4xf32>
    %get3A_92 = arith.constant 0 : index
    %get3A_93 = arith.constant 0 : index
    %get3A_94 = vector.load %arg14[%get3A_92, %get3A_93] : memref<1x4xf32, #tpu.memory_space<vmem>>, vector<1x4xf32>
    %add3A_95 = arith.addf %dot_general3A_91, %get3A_94 : vector<1x4xf32>
    %swap3A = arith.constant 0 : index
    %swap3A_96 = arith.constant 0 : index
    %swap3A_97 = vector.load %arg15[%swap3A, %swap3A_96] : memref<1x4xf32, #tpu.memory_space<vmem>>, vector<1x4xf32>
    tpu.vector_store %arg15[%swap3A, %swap3A_96], %add3A_95 {strides = array<i32>} : memref<1x4xf32, #tpu.memory_space<vmem>>, vector<1x4xf32>,
    %swap3A_98 = arith.constant 0 : index
    %swap3A_99 = arith.constant 0 : index
    %swap3A_100 = vector.load %arg16[%swap3A_98, %swap3A_99] : memref<1x64xf32, #tpu.memory_space<vmem>>, vector<1x64xf32>
    tpu.vector_store %arg16[%swap3A_98, %swap3A_99], %mul3A_76 {strides = array<i32>} : memref<1x64xf32, #tpu.memory_space<vmem>>, vector<1x64xf32>,
    %swap3A_101 = arith.constant 0 : index
    %swap3A_102 = arith.constant 0 : index
    %swap3A_103 = vector.load %arg17[%swap3A_101, %swap3A_102] : memref<1x64xf32, #tpu.memory_space<vmem>>, vector<1x64xf32>
    tpu.vector_store %arg17[%swap3A_101, %swap3A_102], %add3A_74 {strides = array<i32>} : memref<1x64xf32, #tpu.memory_space<vmem>>, vector<1x64xf32>,
    return
  }
}

</mosaic_0001>

<sc_bundles>
// kernel: kernel.4.cloned.1.call-start
scs
__scs_entry_jumppad:
0x0: {  	(pc) =	sbr.rel $0x88, $3  }
0x1: {  	(tag) =	ssettag $0x0;
	lr =	simm.s32 $0x1  }
0x2: {  	[smem:$0x3F90] =	sst lr;
	_ =	strace $0xD0000000  }
0x3: {  	_ = 	snop  }
0x4: {  	_ = 	snop  }
0x5: {  	_ = 	snop  }
0x6: {  	_ = 	snop  }
0x7: {  	_ = 	snop  }
__scs_overlays_trampoline_lowered:
0x8: {  	[smem:$0x3F9F] =	sst s0  }
0x9: {  	[smem:$0x3FA0] =	sst s1  }
0xa: {  	[smem:$0x3FA1] =	sst s2  }
0xb: {  	[smem:$0x3FA2] =	sst s3  }
0xc: {  	[smem:$0x3FA3] =	sst s4  }
0xd: {  	[smem:$0x3FA4] =	sst s5  }
0xe: {  	[smem:$0x3FA5] =	sst s6  }
0xf: {  	[smem:$0x3FA6] =	sst s7  }
0x10: {  	[smem:$0x3FA7] =	sst s8  }
0x11: {  	[smem:$0x3FA8] =	sst s9;
	s0 =	simm.s32 @!p0 $0x0  }
0x12: {  	s1 =	sld [smem:$0x3F8E];
	s0 =	simm.s32 @p0 $0x1  }
0x13: {  	[smem:$0x3FA9] =	sst s0;
	s0 =	simm.s32 @!p1 $0x0  }
0x14: {  	s2 =	sld [smem:$0x3F8D];
	s0 =	simm.s32 @p1 $0x1  }
0x15: {  	[smem:$0x3FAA] =	sst s0;
	s0 =	simm.s32 @!p2 $0x0  }
0x16: {  	s3 =	sld [smem:$0x3FDB];
	s0 =	simm.s32 @p2 $0x1  }
0x17: {  	s4 =	simm.s32 $0x1BF5;
	[smem:$0x3FAC] =	sst s0  }
0x18: {  	s0 =	sld [smem:$0x3F8F];
	_ =	swait.ge [sflag:s4], $0x0  }
0x19: {  	s7 =	sld [smem:$0x3F90]  }
0x1a: {  	s8 =	sadd.s32 $0xFFFFE003, lr  }
0x1b: {  	s9 =	sadd.s32 $0xFFFFFEF7, lr;
	s5 =	simm.s32 $0xFFFFFFFF;
	p2 =	slt.u32 s8, $0xFFFFF086  }
0x1c: {  	p1 =	slt.u32 s9, $0xF7A;
	s5 =	simm.s32 @!p2 $0x0  }
0x1d: {  	s5 =	simm.s32 @p1 $0x1;
	p0 =	seq.s32 s7, s2  }
0x1e: {  	s7 =	smul.u32 @!p0 $0xF7A, s2;
	p2 =	seq.s32 @!p0 s5, $0x0  }
0x1f: {  	s9 =	smul.u32 $0xF7A, s1;
	s8 =	simm.s32 @!p0 $0x1BF5;
	p2 =	por !p2, p0  }
0x20: {  	[sflag:s8] =	ssyncset.s32 @!p0 $0xFFFFF086;
	s6 =	sadd.s32 @!p0 s3, s7;
	s7 =	simm.s32 @!p0 $0x108  }
0x21: {  	s3 =	sadd.s32 s3, s9;
	s6 =	sadd.s32 @!p0 $0x88, s6;
	s7 =	simm.s32 @p2 $0x1082  }
0x22: {  	[simem:s7], [sflag:s8] =	dma.local @!p0 [hbm:s6], $0xF7A  }
0x23: {  	s9 =	sor.u32 $0xD0000000, s2;
	s6 =	simm.s32 $0x108;
	_ =	swait.ge @!p0 [sflag:s8], $0x0  }
0x24: {  	s3 =	sadd.s32 $0x88, s3;
	s6 =	simm.s32 @!p1 $0x1082;
	[sflag:s4] =	ssyncset.s32 $0xFFFFF086  }
0x25: {  	[simem:s6], [sflag:s4] =	dma.local [hbm:s3], $0xF7A  }
0x26: {  	[smem:$0x3F90] =	sst s1;
	(tag) =	ssettag s2;
	_ =	strace s9  }
0x27: {  	s1 =	sld [smem:$0x3FA0]  }
0x28: {  	s2 =	sld [smem:$0x3FA1]  }
0x29: {  	s4 =	sld [smem:$0x3FA3]  }
0x2a: {  	p0 =	seq.s32 s5, $0x0;
	s5 =	sld [smem:$0x3FA4]  }
0x2b: {  	s6 =	sld [smem:$0x3FA5]  }
0x2c: {  	s7 =	sld [smem:$0x3FA6]  }
0x2d: {  	s3 =	simm.s32 $0x108;
	s8 =	sld [smem:$0x3FA7]  }
0x2e: {  	s3 =	simm.s32 @!p0 $0x1082;
	s9 =	sld [smem:$0x3FA8]  }
0x2f: {  	lr =	sadd.s32 s0, s3;
	s0 =	sld [smem:$0x3F9F]  }
0x30: {  	s3 =	sld [smem:$0x3FA2]  }
0x31: {  	[smem:$0x3FAB] =	sst s10  }
0x32: {  	s10 =	sld [smem:$0x3FA9];
	_ =	sdelay $0x3  }
0x33: {  	p0 =	seq.s32 s10, $0x1;
	s10 =	sld [smem:$0x3FAB];
	_ =	sdelay $0x3  }
0x34: {  	[smem:$0x3FAB] =	sst s10  }
0x35: {  	s10 =	sld [smem:$0x3FAA];
	_ =	sdelay $0x3  }
0x36: {  	p1 =	seq.s32 s10, $0x1;
	s10 =	sld [smem:$0x3FAB];
	_ =	sdelay $0x3  }
0x37: {  	[smem:$0x3FAB] =	sst s10  }
0x38: {  	s10 =	sld [smem:$0x3FAC]  }
0x39: {  	_ = 	snop;
	(pc) =	sbr.ind lr, $3  }
0x3a: {  	_ = 	snop  }
0x3b: {  	_ = 	snop  }
0x3c: {  	p2 =	seq.s32 s10, $0x1;
	s10 =	sld [smem:$0x3FAB]  }
0x3d: {  	_ =	shalt  }
0x3e: {  	_ =	shalt  }
0x3f: {  	_ =	shalt  }
0x40: {  	_ =	shalt  }
0x41: {  	_ =	shalt  }
0x42: {  	_ =	shalt  }
0x43: {  	_ =	shalt  }
0x44: {  	_ =	shalt  }
0x45: {  	_ =	shalt  }
0x46: {  	_ =	shalt  }
0x47: {  	_ =	shalt  }
0x48: {  	_ =	shalt  }
0x49: {  	_ =	shalt  }
0x4a: {  	_ =	shalt  }
0x4b: {  	_ =	shalt  }
0x4c: {  	_ =	shalt  }
0x4d: {  	_ =	shalt  }
0x4e: {  	_ =	shalt  }
0x4f: {  	_ =	shalt  }
0x50: {  	_ =	shalt  }
0x51: {  	_ =	shalt  }
0x52: {  	_ =	shalt  }
0x53: {  	_ =	shalt  }
0x54: {  	_ =	shalt  }
0x55: {  	_ =	shalt  }
0x56: {  	_ =	shalt  }
0x57: {  	_ =	shalt  }
0x58: {  	_ =	shalt  }
0x59: {  	_ =	shalt  }
0x5a: {  	_ =	shalt  }
0x5b: {  	_ =	shalt  }
0x5c: {  	_ =	shalt  }
0x5d: {  	_ =	shalt  }
0x5e: {  	_ =	shalt  }
0x5f: {  	_ =	shalt  }
0x60: {  	_ =	shalt  }
0x61: {  	_ =	shalt  }
0x62: {  	_ =	shalt  }
0x63: {  	_ =	shalt  }
0x64: {  	_ =	shalt  }
0x65: {  	_ =	shalt  }
0x66: {  	_ =	shalt  }
0x67: {  	_ =	shalt  }
0x68: {  	_ =	shalt  }
0x69: {  	_ =	shalt  }
0x6a: {  	_ =	shalt  }
0x6b: {  	_ =	shalt  }
0x6c: {  	_ =	shalt  }
0x6d: {  	_ =	shalt  }
0x6e: {  	_ =	shalt  }
0x6f: {  	_ =	shalt  }
0x70: {  	_ =	shalt  }
0x71: {  	_ =	shalt  }
0x72: {  	_ =	shalt  }
0x73: {  	_ =	shalt  }
0x74: {  	_ =	shalt  }
0x75: {  	_ =	shalt  }
0x76: {  	_ =	shalt  }
0x77: {  	_ =	shalt  }
0x78: {  	_ =	shalt  }
0x79: {  	_ =	shalt  }
0x7a: {  	_ =	shalt  }
0x7b: {  	_ =	shalt  }
0x7c: {  	_ =	shalt  }
0x7d: {  	_ =	shalt  }
0x7e: {  	_ =	shalt  }
0x7f: {  	_ =	shalt  }
0x80: {  	_ =	shalt  }
0x81: {  	_ =	shalt  }
0x82: {  	_ =	shalt  }
0x83: {  	_ =	shalt  }
0x84: {  	_ =	shalt  }
0x85: {  	_ =	shalt  }
0x86: {  	_ =	shalt  }
0x87: {  	_ =	shalt  }
.Lfunc_end0:
.L_simem_size_0:
called_computation_lowered:
.L_overlay_start_0:
0x88: {  	s2 =	sld [smem:$0x3FD9]  }
0x89: {  	s3 =	sld [smem:$0x3FFE];
	_ =	sdelay $0x1  }
0x8a: {  	s1 =	srdreg.scid  }
0x8b: {  	s0 =	sand.u32 $0x1, s1  }
0x8c: {  	s14 =	sshll.u32 s0, $0xA;
	s2 =	sadd.s32 s3, s2  }
0x8d: {  	s2 =	sadd.s32 s2, s14  }
0x8e: {  	[smem:$0x3FB7] =	sst s2  }
0x8f: {  	_ = 	snop  }
0x90: {  	s2 =	sld [smem:$0x3FD0];
	_ =	sdelay $0x1  }
0x91: {  	s15 =	sld [smem:$0x3FC8]  }
0x92: {  	s5 =	simm.s32 $0xA;
	s6 =	simm.s32 $0x10;
	s4 =	sld [smem:$0x3FC7]  }
0x93: {  	[smem:s6], [sflag:s5] =	dma.local [hbm:s2], $0x1  }
0x94: {  	_ =	swait.eq [sflag:s5], $0x1  }
0x95: {  	[sflag:s5] =	ssyncset.done $0x0  }
0x96: {  	[sflag:s5] =	ssyncadd.s32 $0xFFFFFFFF  }
0x97: {  	s16 =	sld [smem:$0x12];
	(tm) =	ssettm $0x1  }
0x98: {  	s17 =	sld [smem:$0x3FFB];
	_ =	sdelay $0x3  }
0x99: {  	_ =	strace s17  }
0x9a: {  	s5 =	sld [smem:$0x3FFC];
	_ =	sdelay $0x3  }
0x9b: {  	_ =	strace s5  }
0x9c: {  	s5 =	sld [smem:$0x3FFD];
	_ =	sdelay $0x3  }
0x9d: {  	_ =	strace s5  }
0x9e: {  	_ =	strace $0x8FFFFFFF  }
0x9f: {  	s18 =	sld [smem:$0x3FDB];
	_ =	sdelay $0x1  }
0xa0: {  	s19 =	simm.s32 $_scs_section_size  }
0xa1: {  	s7 =	simm.s32 $_size__tile_overlayer_lowered;
	s8 =	simm.s32 $_tile_overlayer_lowered  }
0xa2: {  	s22 =	simm.s32 $0x1BFF;
	s21 =	sshll.u32 s8, $0x1;
	s5 =	sadd.s32 s19, s18  }
0xa3: {  	s9 =	simm.s32 $0x0;
	s20 =	sshll.u32 s7, $0x1;
	s7 =	sadd.s32 s21, s5  }
0xa4: {  	[timem:s9], [sflag:s22] =	dma.local [hbm:s7], s20  }
0xa5: {  	_ =	swait.ge [sflag:s22], s20  }
0xa6: {  	s6 =	ssub.s32 $0x0, s20;
	[sflag:s22] =	ssyncset.done $0x0  }
0xa7: {  	[sflag:s22] =	ssyncadd.s32 s6;
	_ =	sdelay $0x1  }
0xa8: {  	s23 =	simm.s32 $0x1B8B  }
0xa9: {  	_ =	swait.ge [sflag:s23], $0x1  }
0xaa: {  	[sflag:s23] =	ssyncset.done $0x0  }
0xab: {  	s25 =	simm.s32 $0x1B8E;
	s24 =	sld [smem:$0x3FFE];
	[sflag:s23] =	ssyncadd.s32 $0xFFFFFFFF  }
0xac: {  	s26 =	simm.s32 $execute0_lowered;
	[smem:$0x3FD2] =	sst s25  }
0xad: {  	s7 =	sshll.u32 s26, $0x1;
	_ =	strace $0x80000046;
	[dreg:$0x1] =	wrdreg $0xFFFFFFFF  }
0xae: {  	s28 =	simm.s32 $_size_execute0_lowered;
	s5 =	sadd.s32 s5, s7;
	[dreg:$0x0] =	wrdreg $0x0  }
0xaf: {  	s7 =	sshll.u32 s28, $0x1;
	[dreg:$0x2] =	wrdreg s5  }
0xb0: {  	[dreg:$0x3] =	wrdreg s7  }
0xb1: {  	[dreg:$0x4] =	wrdreg $0xC0  }
0xb2: {  	_ =	task [dreg:s9], $0x5FFFF  }
0xb3: {  	[dreg:$0x1] =	wrdreg $0xFFFFFFFF  }
0xb4: {  	[dreg:$0x0] =	wrdreg $0x60  }
0xb5: {  	[dreg:$0x2] =	wrdreg s16  }
0xb6: {  	[dreg:$0x3] =	wrdreg s15  }
0xb7: {  	[dreg:$0x4] =	wrdreg s4  }
0xb8: {  	[dreg:$0x5] =	wrdreg s24  }
0xb9: {  	[dreg:$0x6] =	wrdreg $0x1AE000  }
0xba: {  	[dreg:$0x7] =	wrdreg $0x9  }
0xbb: {  	_ =	task.clear_ibuf [dreg:s9], $0x8FFFF;
	_ =	strace $0x90000046  }
0xbc: {  	s29 =	simm.s32 $0x9;
	_ =	strace $0x80000048  }
0xbd: {  	_ =	swait.ge [sflag:s29], $0x1  }
0xbe: {  	[sflag:s29] =	ssyncadd.s32 $0xFFFFFFFF  }
0xbf: {  	_ =	strace $0x90000048  }
0xc0: {  	_ =	sfence  }
0xc1: {  	s30 =	sld [smem:$0x0];
	_ =	sdelay $0x2  }
0xc2: {  	s31 =	sshll.u32 s1, $0xD;
	s1 =	sshrl.u32 s1, $0x2  }
0xc3: {  	s3 =	sand.u32 $0x4000, s31;
	s1 =	sadd.s32 s1, s30  }
0xc4: {  	s0 =	sor.u32 s3, s0;
	s1 =	sshll.u32 s1, $0x11  }
0xc5: {  	s0 =	sor.u32 s1, s0  }
0xc6: {  	s0 =	sadd.s32 $0x8F2B, s0  }
0xc7: {  	[sflag:s0] =	ssyncadd.remote.s32 $0x1  }
0xc8: {  	_ =	sfence.sel $0xFFFF  }
0xc9: {  	[dreg:$0x0] =	wrdreg $0xFFFFFFFF;
	(pc) =	sbr.abs _section_cstart, $3  }
0xca: {  	[dreg:$0x1] =	wrdreg $0xFFFFFFFF  }
0xcb: {  	_ =	task.clear_ibuf [dreg:s9], $0x2FFFF;
	_ =	strace $0x9FFFFFFF  }
0xcc: {  	(tm) =	ssettm $0x7FFFFFFF  }
0xcd: {  	_ =	shalt  }
tec
execute0_lowered:
.L_overlay_start_1:
0x0: {  	(tag) =	ssettag $0x1  }
0x1: {  	s2 =	rddreg [dreg:$0x1]  }
0x2: {  	s3 =	rddreg [dreg:$0x2]  }
0x3: {  	s0 =	rddreg [dreg:$0x3]  }
0x4: {  	s5 =	rddreg [dreg:$0x4];
	s4 =	srdreg.scid  }
0x5: {  	s1 =	stileid.u32;
	s6 =	simm.s32 $0x0;
	s16 =	simm.s32 $0x4  }
0x6: {  	s19 =	simm.s32 $0x1;
	s20 =	simm.s32 $0x2;
	s12 =	smul.u32 $0x1870, s1  }
0x7: {  	s21 =	simm.s32 $0x0;
	s4 =	sand.u32 $0x1, s4;
	s15 =	smul.u32 $0xC800, s1  }
0x8: {  	s7 =	sshll.u32 s1, $0x1;
	[smem:$0x7FF] =	sst s6;
	s13 =	smul.u32 $0x186A0, s4  }
0x9: {  	s7 =	sor.u32 s4, s7;
	s8 =	ssub.s32 $0x2, s4;
	s4 =	smul.u32 $0x6400, s4  }
0xa: {  	s0 =	sadd.s32 $0x2400, s0;
	p0 =	seq.s32 s1, $0xF;
	s9 =	smul.u32 $0xC800, s7  }
0xb: {  	_ =	strace $0x80000047;
	s10 =	sshrl.u32 s8, $0x1;
	s11 =	smul.u32 $0x1900, s7  }
0xc: {  	s14 =	ssub.s32 s8, s10;
	s10 =	sadd.s32 s12, s5;
	s12 =	sadd.s32 s12, s13  }
.Ltmp0:
0xd: {  	s13 =	sshrl.u32 s13, $0x3;
	s31 =	sadd.s32 s4, s15;
	(pc) =	sbr.rel .LBB2_1-.Ltmp0, $4  }
0xe: {  	s9 =	sshrl.u32 s9, $0x3;
	s29 =	sadd.s32 s2, s11;
	s12 =	sshrl.u32 s12, $0x3  }
0xf: {  	s13 =	sadd.s32 s0, s13;
	s14 =	smax.u32 s14, $0x1;
	s15 =	sadd.s32 $0xC8000, s31  }
0x10: {  	[dreg:$0x7] =	wrdreg s29;
	s30 =	sadd.s32 s2, s9;
	s12 =	sadd.s32 s0, s12  }
0x11: {  	v0 =	vimm.f32 $0.0e+00;
	v1 =	vimm.s32 $0x0;
	s13 =	sadd.s32 $0x2DD2, s13;
	s9 =	sadd.s32 $0x32000, s30;
	s11 =	sadd.s32 $0x64000, s30  }
.LBB2_19:
0x12: {  	[bflag:$0x0] =	sbarrier.arrive $0xFFFF;
	s0 =	simm.s32 @p0 $0x19480;
	s1 =	simm.s32 @p0 $0x4  }
0x13: {  	[tilespmem:s0], [sflag:$0x4] =	stream.linear.gather @p0 [spmem:s10], $0x1810, $0x38;
	[tilespmem:$0x1C670] =	vst v63  }
0x14: {  	_ =	swait.ge @p0 [sflag:s1], $0x1810  }
0x15: {  	[sflag:s1] =	ssyncset.done @p0 $0x0  }
0x16: {  	s4 =	simm.s32 @p0 $0x0;
	[sflag:s1] =	ssyncadd.s32 @p0 $0xFFFFE7F0  }
0x17: {  	[hbm4b:s13+s4] =	stream.linear.scatter @p0 [tilespmem:s0], [sflag:$0x4], $0x1810, $0x38;
	[tilespmem:$0x1C670] =	vst v63  }
0x18: {  	_ =	swait.ge @p0 [sflag:s1], $0x1810  }
0x19: {  	[sflag:s1] =	ssyncset.done @p0 $0x0  }
0x1a: {  	s0 =	simm.s32 @!p0 $0x19480;
	[sflag:s1] =	ssyncadd.s32 @p0 $0xFFFFE7F0;
	s1 =	simm.s32 @!p0 $0x4  }
0x1b: {  	[tilespmem:s0], [sflag:$0x4] =	stream.linear.gather @!p0 [spmem:s10], $0x1870, $0x38;
	[tilespmem:$0x1C670] =	vst v63  }
0x1c: {  	s21 =	sadd.s32 $0x1, s21;
	_ =	swait.ge @!p0 [sflag:s1], $0x1870  }
0x1d: {  	p1 =	sne.s32 s21, s14;
	[sflag:s1] =	ssyncset.done @!p0 $0x0  }
.Ltmp1:
0x1e: {  	s4 =	simm.s32 @!p0 $0x0;
	[sflag:s1] =	ssyncadd.s32 @!p0 $0xFFFFE790;
	(pc) =	sbr.rel @!p1 .LBB2_20-.Ltmp1, $4  }
0x1f: {  	[hbm4b:s12+s4] =	stream.linear.scatter @!p0 [tilespmem:s0], [sflag:$0x4], $0x1870, $0x38;
	[tilespmem:$0x1C670] =	vst v63  }
0x20: {  	_ =	swait.ge @!p0 [sflag:s1], $0x1870  }
0x21: {  	[sflag:s1] =	ssyncset.done @!p0 $0x0  }
0x22: {  	[sflag:s1] =	ssyncadd.s32 @!p0 $0xFFFFE790  }
.LBB2_1:
0x23: {  	s0 =	rddreg [dreg:$0x0]  }
0x24: {  	[tilespmem:s6], [sflag:$0x4] =	stream.linear.gather [hbm4b:s0+s6], $0x80, $0x38;
	[tilespmem:$0x1C670] =	vst v63  }
0x25: {  	_ =	swait.ge [sflag:s16], $0x80  }
0x26: {  	[sflag:s16] =	ssyncset.done $0x0  }
0x27: {  	s1 =	simm.s32 $0x80;
	s30 =	rddreg [dreg:$0x7];
	[sflag:s16] =	ssyncadd.s32 $0xFFFFFF80  }
0x28: {  	v2 =	vld [tilespmem:$0x0];
	[tilespmem:s1], [sflag:$0x1] =	stream.linear.gather [hbm4b:s30+s6], $0xC800, $0x38  }
0x29: {  	s31 =	simm.s32 $0xC880;
	s4 =	simm.s32 $0x0;
	s0 =	simm.s32 $0x40  }
0x2a: {  	[tilespmem:s31], [sflag:$0x2] =	stream.linear.gather [hbm4b:s9+s6], $0xC800, $0x38;
	[tilespmem:$0x1C670] =	vst v63  }
.LBB2_2:
0x2b: {  	p1 =	sne.s32 s0, $0x6180;
	[tilespmem:s4+$0x19480] =	vst v0;
	s4 =	smov.u32 s0;
	s0 =	sadd.s32 $0x40, s0  }
.Ltmp2:
0x2c: {  	(pc) =	sbr.rel @p1 .LBB2_2-.Ltmp2, $2  }
0x2d: {  	_ =	sdelay $0x2  }
0x2e: {  	s4 =	sshra.s32 s4, $0x2  }
0x2f: {  	[tilespmem:s4+$0x19480] =	vst v0;
	s0 =	simm.s32 @p0 $0x19480  }
0x30: {  	[spmem:s10] =	stream.linear.scatter @p0 [tilespmem:s0], [sflag:$0x4], $0x1810, $0x38;
	[tilespmem:$0x1C670] =	vst v63  }
0x31: {  	s0 =	simm.s32 @p0 $0x4  }
0x32: {  	_ =	swait.ge @p0 [sflag:s0], $0x1810  }
0x33: {  	[sflag:s0] =	ssyncset.done @p0 $0x0  }
0x34: {  	[sflag:s0] =	ssyncadd.s32 @p0 $0xFFFFE7F0;
	s0 =	simm.s32 @!p0 $0x19480  }
0x35: {  	[spmem:s10] =	stream.linear.scatter @!p0 [tilespmem:s0], [sflag:$0x4], $0x1870, $0x38;
	[tilespmem:$0x1C670] =	vst v63  }
0x36: {  	s0 =	simm.s32 @!p0 $0x4  }
.Ltmp3:
0x37: {  	_ =	swait.ge @!p0 [sflag:s0], $0x1870;
	(pc) =	sbr.rel .LBB2_4-.Ltmp3, $4  }
0x38: {  	[sflag:s0] =	ssyncset.done @!p0 $0x0  }
0x39: {  	[sflag:s0] =	ssyncadd.s32 @!p0 $0xFFFFE790  }
0x3a: {  	[bflag:$0x0] =	sbarrier.arrive $0xFFFF  }
0x3b: {  	s22 =	simm.s32 $0x0;
	p2 =	por $0x1, $0x1  }
.LBB2_17:
0x3c: {  	p2 =	sgt.u32 s23, $0x3C  }
0x3d: {  	s0 =	smul.u32 @!p2 $0xC800, s23;
	_ =	sdelay $0x1  }
0x3e: {  	s0 =	sshrl.u32 @!p2 s0, $0x3  }
0x3f: {  	s0 =	sadd.s32 @!p2 s2, s0  }
0x40: {  	s1 =	simm.s32 @!p2 $0x0;
	s4 =	simm.s32 @!p2 $0xC880;
	s0 =	sadd.s32 @!p2 $0x64000, s0  }
0x41: {  	[tilespmem:s4], [sflag:$0x2] =	stream.linear.gather @!p2 [hbm4b:s0+s1], $0xC800, $0x38;
	[tilespmem:$0x1C670] =	vst v63  }
.LBB2_18:
.Ltmp4:
0x42: {  	(pc) =	sbr.rel @!p1 .LBB2_19-.Ltmp4, $2  }
0x43: {  	_ =	sdelay $0x2  }
0x44: {  	s22 =	simm.s32 $0x40;
	p2 =	por $0x0, $0x0  }
.LBB2_4:
.Ltmp5:
0x45: {  	(pc) =	sbr.rel .LBB2_5-.Ltmp5, $4  }
0x46: {  	s0 =	sadd.s32 s22, s7;
	_ =	swait.ge [sflag:s19], $0xC800  }
0x47: {  	s23 =	sor.u32 s7, s22;
	p1 =	por p2, p2;
	s4 =	smul.u32 $0xC800, s0  }
0x48: {  	s25 =	simm.s32 $0x0;
	s26 =	simm.s32 $0x0;
	[sflag:s19] =	ssyncset.done $0x0  }
0x49: {  	s24 =	smul.u32 $0x6400, s0;
	[sflag:s19] =	ssyncadd.s32 $0xFFFF3800;
	[dreg:$0x6] =	wrdreg s4  }
.LBB2_8:
0x4a: {  	[sflag:s4] =	ssyncset.done @!p2 $0x0  }
0x4b: {  	s0 =	sor.u32 s31, s0;
	[sflag:s4] =	ssyncadd.s32 @!p2 $0xFFFFFFF0  }
0x4c: {  	v3 =	vld [tilespmem:s0+$0x100];
	_ =	sdelay $0x4  }
0x4d: {  	vm0 =	veq.s32 v3, v2  }
0x4e: {  	v4 =	vsel vm0, $0x1, v1  }
0x4f: {  	(xrf0) =	vadd.scan.msk.s32 $0xffff, v4;
	_ =	sdelay $0x5  }
0x50: {  	v4, _, _ =	vpop (xrf0)  }
0x51: {  	(v2sf) =	vpush v4, $0xF;
	_ =	sdelay $0xe  }
0x52: {  	s30 =	spop (v2sf)  }
0x53: {  	s1 =	rddreg [dreg:$0x6];
	p2 =	slt.s32 s30, $0x1  }
0x54: {  	s1 =	sadd.s32 @!p2 s29, s1  }
0x55: {  	p4 =	sne.s32 @!p2 s31, $0x0;
	p3 =	seq.s32 @!p2 s1, $0x0  }
0x56: {  	p3 =	por @!p2 !p4, !p3  }
0x57: {  	p3 =	por @!p2 !p3, !p3  }
0x58: {  	s4 =	simm.s32 @!p2 $0x1;
	s1 =	sadd.s32 @!p2 s28, s24;
	p3 =	por !p3, p2  }
0x59: {  	s1 =	sshrl.u32 @!p2 s1, $0x7;
	s4 =	simm.s32 @p3 $0x0  }
0x5a: {  	s1 =	ssub.s32 @!p2 s1, s4  }
0x5b: {  	s4 =	sand.u32 @!p2 $0x7, s1  }
0x5c: {  	p3 =	slt.s32 @!p2 s1, $0x1;
	p4 =	sne.s32 @!p2 s4, $0x0  }
0x5d: {  	p3 =	por @!p2 !p3, !p4  }
0x5e: {  	s4 =	sshrl.u32 @!p2 s1, $0x1D;
	p3 =	por @!p2 !p3, !p3  }
0x5f: {  	s8 =	simm.s32 @!p2 $0x1;
	s4 =	sadd.s32 @!p2 s4, s1;
	p3 =	por !p3, p2  }
0x60: {  	s4 =	sshra.s32 @!p2 s4, $0x3;
	s8 =	simm.s32 @p3 $0x0  }
0x61: {  	s4 =	ssub.s32 @!p2 s4, s8  }
0x62: {  	s8 =	sshll.u32 @!p2 s4, $0x3  }
0x63: {  	s17 =	simm.s32 @!p2 $0x0;
	s4 =	sshll.u32 @!p2 s4, $0x7;
	s1 =	ssub.s32 @!p2 s1, s8  }
0x64: {  	s18 =	simm.s32 @!p2 $0x19080;
	s4 =	sand.u32 @!p2 $0x1FFFFF80, s4;
	s1 =	sshll.u32 @!p2 s1, $0x7  }
0x65: {  	v4 =	vlaneseq.u32 @!p2;
	s8 =	simm.s32 @!p2 $0x3;
	s4 =	sadd.s32 @!p2 s3, s4;
	s1 =	sor.u32 @!p2 s31, s1  }
0x66: {  	[tilespmem:s18], [sflag:$0x3] =	stream.linear.gather @!p2 [hbm4b:s4+s17], $0x400, $0x38;
	v4 =	vor.u32 @!p2 s1, v4;
	[tilespmem:$0x1C670] =	vst v63  }
0x67: {  	_ =	swait.ge @!p2 [sflag:s8], $0x400  }
0x68: {  	[sflag:s8] =	ssyncset.done @!p2 $0x0  }
0x69: {  	s0 =	sor.u32 $0x80, s0;
	[sflag:s8] =	ssyncadd.s32 @!p2 $0xFFFFFC00  }
0x6a: {  	v5 =	vld @!p2 [tilespmem:s0+$0x0]  }
0x6b: {  	v4 =	vld.idx.msk @!p2 [tilespmem:v4+s18+$0x0], $0xffff;
	_ =	sdelay $0x3  }
0x6c: {  	vm0 =	veq.s32 @!p2 v3, v2  }
0x6d: {  	s4 =	simm.s32 @!p2 $0x1AD80;
	[tilespmem:$0x1AD00] =	vst @!p2 v5;
	v3 =	vnsel @!p2 vm0, $0x0, v4  }
0x6e: {  	s1 =	simm.s32 @!p2 $0x1AD00;
	s8 =	simm.s32 @!p2 $0x4;
	s0 =	simm.s32 @!p2 $0x10;
	[tilespmem:$0x1AD80] =	vst @!p2 v3  }
0x6f: {  	[spmem:s5] =	stream.indirect.scatter.add.f32 @!p2 [tilespmem:s4], [sflag:$0x4], $0x1, s1, s0, $0xb8;
	[tilespmem:$0x1C670] =	vst v63  }
0x70: {  	_ =	swait.ge @!p2 [sflag:s8], $0x10  }
0x71: {  	[sflag:s8] =	ssyncset.done @!p2 $0x0  }
0x72: {  	[sflag:s8] =	ssyncadd.s32 @!p2 $0xFFFFFFF0  }
.LBB2_9:
0x73: {  	s26 =	sadd.s32 $0x1, s26  }
0x74: {  	p2 =	sne.s32 s26, $0x32  }
.Ltmp6:
0x75: {  	_ = 	snop;
	(pc) =	sbr.rel @!p2 .LBB2_10-.Ltmp6, $2  }
0x76: {  	_ =	sdelay $0x2  }
0x77: {  	s25 =	sadd.s32 $0x400, s25;
	s24 =	sadd.s32 $0x200, s24  }
.LBB2_5:
0x78: {  	s0 =	sshll.u32 s26, $0xA  }
0x79: {  	s0 =	sand.u32 $0x3FFFFC00, s0  }
0x7a: {  	v3 =	vld [tilespmem:s0+$0x100]  }
0x7b: {  	v4 =	vld [tilespmem:s0+$0x110]  }
0x7c: {  	v5 =	vld [tilespmem:s0+$0x120]  }
0x7d: {  	v6 =	vld [tilespmem:s0+$0x130]  }
0x7e: {  	v7 =	vld [tilespmem:s0+$0x140]  }
0x7f: {  	v8 =	vld [tilespmem:s0+$0x150]  }
0x80: {  	vm0 =	veq.s32 v3, v2;
	vm1 =	veq.s32 v4, v2;
	v3 =	vld [tilespmem:s0+$0x160]  }
0x81: {  	v44 =	vld [tilespmem:s0+$0x170];
	vm10 =	veq.s32 v5, v2;
	vm0 =	vmor vm0, vm1  }
0x82: {  	v45 =	vld [tilespmem:s0+$0x200];
	vm11 =	veq.s32 v6, v2;
	vm0 =	vmor vm0, vm10  }
0x83: {  	v46 =	vld [tilespmem:s0+$0x210];
	vm12 =	veq.s32 v7, v2;
	vm0 =	vmor vm0, vm11  }
0x84: {  	v47 =	vld [tilespmem:s0+$0x220];
	vm13 =	veq.s32 v8, v2;
	vm0 =	vmor vm0, vm12  }
0x85: {  	vm0 =	vmor vm0, vm13;
	vm14 =	veq.s32 v3, v2;
	v3 =	vld [tilespmem:s0+$0x230]  }
0x86: {  	v48 =	vld [tilespmem:s0+$0x240];
	vm15 =	veq.s32 v44, v2;
	vm0 =	vmor vm0, vm14  }
0x87: {  	v49 =	vld [tilespmem:s0+$0x250];
	vm4 =	veq.s32 v45, v2;
	vm0 =	vmor vm0, vm15  }
0x88: {  	v50 =	vld [tilespmem:s0+$0x260];
	vm5 =	veq.s32 v46, v2;
	vm0 =	vmor vm0, vm4  }
0x89: {  	v51 =	vld [tilespmem:s0+$0x270];
	vm6 =	veq.s32 v47, v2;
	vm0 =	vmor vm0, vm5  }
0x8a: {  	vm0 =	vmor vm0, vm6;
	vm7 =	veq.s32 v3, v2;
	v3 =	vld [tilespmem:s0+$0x300]  }
0x8b: {  	v52 =	vld [tilespmem:s0+$0x310];
	vm8 =	veq.s32 v48, v2;
	vm0 =	vmor vm0, vm7  }
0x8c: {  	v53 =	vld [tilespmem:s0+$0x320];
	vm9 =	veq.s32 v49, v2;
	vm0 =	vmor vm0, vm8  }
0x8d: {  	v54 =	vld [tilespmem:s0+$0x330];
	vm10 =	veq.s32 v50, v2;
	vm0 =	vmor vm0, vm9  }
0x8e: {  	v55 =	vld [tilespmem:s0+$0x340];
	vm11 =	veq.s32 v51, v2;
	vm0 =	vmor vm0, vm10  }
0x8f: {  	vm0 =	vmor vm0, vm11;
	vm12 =	veq.s32 v3, v2;
	v3 =	vld [tilespmem:s0+$0x350]  }
0x90: {  	v56 =	vld [tilespmem:s0+$0x360];
	vm13 =	veq.s32 v52, v2;
	vm0 =	vmor vm0, vm12  }
0x91: {  	v57 =	vld [tilespmem:s0+$0x370];
	vm14 =	veq.s32 v53, v2;
	vm0 =	vmor vm0, vm13  }
0x92: {  	v58 =	vld [tilespmem:s0+$0x400];
	vm15 =	veq.s32 v54, v2;
	vm0 =	vmor vm0, vm14  }
0x93: {  	v59 =	vld [tilespmem:s0+$0x410];
	vm4 =	veq.s32 v55, v2;
	vm0 =	vmor vm0, vm15  }
0x94: {  	vm0 =	vmor vm0, vm4;
	vm5 =	veq.s32 v3, v2;
	v3 =	vld [tilespmem:s0+$0x420]  }
0x95: {  	v60 =	vld [tilespmem:s0+$0x430];
	vm6 =	veq.s32 v56, v2;
	vm0 =	vmor vm0, vm5  }
0x96: {  	v61 =	vld [tilespmem:s0+$0x440];
	vm7 =	veq.s32 v57, v2;
	vm0 =	vmor vm0, vm6  }
0x97: {  	v62 =	vld [tilespmem:s0+$0x450];
	vm8 =	veq.s32 v58, v2;
	vm0 =	vmor vm0, vm7  }
0x98: {  	v63 =	vld [tilespmem:s0+$0x460];
	vm9 =	veq.s32 v59, v2;
	vm0 =	vmor vm0, vm8  }
0x99: {  	vm0 =	vmor vm0, vm9;
	vm10 =	veq.s32 v3, v2;
	v3 =	vld [tilespmem:s0+$0x470]  }
0x9a: {  	vm11 =	veq.s32 v60, v2;
	vm0 =	vmor vm0, vm10  }
0x9b: {  	vm12 =	veq.s32 v61, v2;
	vm0 =	vmor vm0, vm11  }
0x9c: {  	vm13 =	veq.s32 v62, v2;
	vm0 =	vmor vm0, vm12  }
0x9d: {  	vm14 =	veq.s32 v63, v2;
	vm0 =	vmor vm0, vm13  }
0x9e: {  	vm0 =	vmor vm0, vm14;
	vm15 =	veq.s32 v3, v2  }
0x9f: {  	vm0 =	vmor vm0, vm15  }
0xa0: {  	v3 =	vsel vm0, $0x1, v1  }
0xa1: {  	(xrf0) =	vadd.scan.msk.s32 $0xffff, v3;
	_ =	sdelay $0x5  }
0xa2: {  	v3, _, _ =	vpop (xrf0)  }
0xa3: {  	(v2sf) =	vpush v3, $0xF;
	_ =	sdelay $0xe  }
0xa4: {  	s31 =	spop (v2sf)  }
0xa5: {  	p2 =	slt.s32 s31, $0x1  }
.Ltmp7:
0xa6: {  	_ = 	snop;
	(pc) =	sbr.rel @p2 .LBB2_9-.Ltmp7, $1  }
0xa7: {  	_ =	sdelay $0x3  }
0xa8: {  	s0 =	simm.s32 $0x0  }
0xa9: {  	s4 =	sand.u32 $0xFF00, s25;
	s0 =	sand.u32 $0x70, s0  }
0xaa: {  	s4 =	sor.u32 s0, s4  }
0xab: {  	v3 =	vld [tilespmem:s4+$0x100];
	_ =	sdelay $0x4  }
0xac: {  	vm0 =	veq.s32 v3, v2  }
0xad: {  	v4 =	vsel vm0, $0x1, v1  }
0xae: {  	(xrf0) =	vadd.scan.msk.s32 $0xffff, v4;
	_ =	sdelay $0x5  }
0xaf: {  	v4, _, _ =	vpop (xrf0)  }
0xb0: {  	(v2sf) =	vpush v4, $0xF;
	_ =	sdelay $0xe  }
0xb1: {  	s29 =	spop (v2sf)  }
0xb2: {  	s28 =	rddreg [dreg:$0x6];
	p2 =	slt.s32 s29, $0x1  }
0xb3: {  	s28 =	sadd.s32 @!p2 s25, s28  }
0xb4: {  	p4 =	sne.s32 @!p2 s0, $0x0;
	p3 =	seq.s32 @!p2 s28, $0x0  }
0xb5: {  	p3 =	por @!p2 !p4, !p3  }
0xb6: {  	p3 =	por @!p2 !p3, !p3  }
0xb7: {  	s29 =	simm.s32 @!p2 $0x1;
	s28 =	sadd.s32 @!p2 $0x0, s24;
	p3 =	por !p3, p2  }
0xb8: {  	s28 =	sshrl.u32 @!p2 s28, $0x7;
	s29 =	simm.s32 @p3 $0x0  }
0xb9: {  	s28 =	ssub.s32 @!p2 s28, s29  }
0xba: {  	s29 =	sand.u32 @!p2 $0x7, s28  }
0xbb: {  	p3 =	slt.s32 @!p2 s28, $0x1;
	p4 =	sne.s32 @!p2 s29, $0x0  }
0xbc: {  	p3 =	por @!p2 !p3, !p4  }
0xbd: {  	s29 =	sshrl.u32 @!p2 s28, $0x1D;
	p3 =	por @!p2 !p3, !p3  }
0xbe: {  	s30 =	simm.s32 @!p2 $0x1;
	s29 =	sadd.s32 @!p2 s29, s28;
	p3 =	por !p3, p2  }
0xbf: {  	s29 =	sshra.s32 @!p2 s29, $0x3;
	s30 =	simm.s32 @p3 $0x0  }
0xc0: {  	s29 =	ssub.s32 @!p2 s29, s30  }
0xc1: {  	s30 =	sshll.u32 @!p2 s29, $0x3  }
0xc2: {  	s31 =	simm.s32 @!p2 $0x19080;
	s29 =	sshll.u32 @!p2 s29, $0x7;
	s28 =	ssub.s32 @!p2 s28, s30  }
0xc3: {  	s29 =	sand.u32 @!p2 $0x1FFFFF80, s29;
	s30 =	simm.s32 @!p2 $0x0;
	s28 =	sshll.u32 @!p2 s28, $0x7  }
0xc4: {  	v4 =	vlaneseq.u32 @!p2;
	s29 =	sadd.s32 @!p2 s3, s29;
	s0 =	sor.u32 @!p2 s0, s28;
	s28 =	simm.s32 @!p2 $0x3  }
0xc5: {  	[tilespmem:s31], [sflag:$0x3] =	stream.linear.gather @!p2 [hbm4b:s29+s30], $0x400, $0x38;
	v4 =	vor.u32 @!p2 s0, v4;
	[tilespmem:$0x1C670] =	vst v63  }
0xc6: {  	_ =	swait.ge @!p2 [sflag:s28], $0x400  }
0xc7: {  	[sflag:s28] =	ssyncset.done @!p2 $0x0  }
0xc8: {  	s0 =	sor.u32 $0x80, s4;
	[sflag:s28] =	ssyncadd.s32 @!p2 $0xFFFFFC00  }
0xc9: {  	v5 =	vld @!p2 [tilespmem:s0+$0x0]  }
0xca: {  	v4 =	vld.idx.msk @!p2 [tilespmem:v4+s31+$0x0], $0xffff;
	_ =	sdelay $0x3  }
0xcb: {  	vm0 =	veq.s32 @!p2 v3, v2  }
0xcc: {  	s30 =	simm.s32 $0x1E;
	[tilespmem:$0x1AD00] =	vst @!p2 v5;
	v3 =	vnsel @!p2 vm0, $0x0, v4  }
0xcd: {  	s4 =	simm.s32 @!p2 $0x1AD00;
	s28 =	simm.s32 @!p2 $0x1AD80;
	s0 =	simm.s32 @!p2 $0x10;
	[tilespmem:$0x1AD80] =	vst @!p2 v3  }
0xce: {  	[spmem:s5] =	stream.indirect.scatter.add.f32 @!p2 [tilespmem:s28], [sflag:$0x4], $0x1, s4, s0, $0xb8;
	[tilespmem:$0x1C670] =	vst v63  }
0xcf: {  	s29 =	sadd.s32 $0x20, s25;
	s4 =	simm.s32 @!p2 $0x4;
	s28 =	simm.s32 $0x10  }
0xd0: {  	s0 =	sand.u32 $0xFF00, s29;
	s31 =	sand.u32 $0x70, s28;
	_ =	swait.ge @!p2 [sflag:s4], $0x10  }
.LBB2_7:
0xd1: {  	[sflag:s4] =	ssyncset.done @!p2 $0x0  }
0xd2: {  	s0 =	sor.u32 s31, s0;
	[sflag:s4] =	ssyncadd.s32 @!p2 $0xFFFFFFF0  }
0xd3: {  	v3 =	vld [tilespmem:s0+$0x100];
	_ =	sdelay $0x4  }
0xd4: {  	vm0 =	veq.s32 v3, v2  }
0xd5: {  	v4 =	vsel vm0, $0x1, v1  }
0xd6: {  	(xrf0) =	vadd.scan.msk.s32 $0xffff, v4;
	_ =	sdelay $0x5  }
0xd7: {  	v4, _, _ =	vpop (xrf0)  }
0xd8: {  	(v2sf) =	vpush v4, $0xF;
	_ =	sdelay $0xe  }
0xd9: {  	s1 =	spop (v2sf)  }
0xda: {  	s4 =	rddreg [dreg:$0x6];
	p2 =	slt.s32 s1, $0x1  }
0xdb: {  	s1 =	sadd.s32 @!p2 s29, s4  }
0xdc: {  	p5 =	sne.s32 @!p2 s31, $0x0;
	p4 =	seq.s32 @!p2 s1, $0x0  }
0xdd: {  	p4 =	por @!p2 !p5, !p4  }
0xde: {  	p4 =	por @!p2 !p4, !p4  }
0xdf: {  	s4 =	sadd.s32 @!p2 s28, s24;
	s17 =	simm.s32 @!p2 $0x1;
	p4 =	por !p4, p2  }
0xe0: {  	s4 =	sshrl.u32 @!p2 s4, $0x7;
	s17 =	simm.s32 @p4 $0x0  }
0xe1: {  	s4 =	ssub.s32 @!p2 s4, s17  }
0xe2: {  	s18 =	sand.u32 @!p2 $0x7, s4  }
0xe3: {  	p4 =	slt.s32 @!p2 s4, $0x1;
	p5 =	sne.s32 @!p2 s18, $0x0  }
0xe4: {  	p4 =	por @!p2 !p4, !p5  }
0xe5: {  	s17 =	sshrl.u32 @!p2 s4, $0x1D;
	p4 =	por @!p2 !p4, !p4  }
0xe6: {  	s1 =	simm.s32 @!p2 $0x1;
	s17 =	sadd.s32 @!p2 s17, s4;
	p4 =	por !p4, p2  }
0xe7: {  	s17 =	sshra.s32 @!p2 s17, $0x3;
	s1 =	simm.s32 @p4 $0x0  }
0xe8: {  	s1 =	ssub.s32 @!p2 s17, s1  }
0xe9: {  	s17 =	sshll.u32 @!p2 s1, $0x3  }
0xea: {  	s8 =	simm.s32 @!p2 $0x19080;
	s1 =	sshll.u32 @!p2 s1, $0x7;
	s4 =	ssub.s32 @!p2 s4, s17  }
0xeb: {  	s18 =	simm.s32 @!p2 $0x0;
	s1 =	sand.u32 @!p2 $0x1FFFFF80, s1;
	s4 =	sshll.u32 @!p2 s4, $0x7  }
0xec: {  	vm0 =	veq.s32 @!p2 v3, v2;
	v3 =	vlaneseq.u32 @!p2;
	s17 =	simm.s32 @!p2 $0x3;
	s1 =	sadd.s32 @!p2 s3, s1;
	s4 =	sor.u32 @!p2 s31, s4  }
0xed: {  	[tilespmem:s8], [sflag:$0x3] =	stream.linear.gather @!p2 [hbm4b:s1+s18], $0x400, $0x38;
	v3 =	vor.u32 @!p2 s4, v3;
	[tilespmem:$0x1C670] =	vst v63  }
0xee: {  	_ =	swait.ge @!p2 [sflag:s17], $0x400  }
0xef: {  	[sflag:s17] =	ssyncset.done @!p2 $0x0  }
0xf0: {  	s0 =	sor.u32 $0x80, s0;
	[sflag:s17] =	ssyncadd.s32 @!p2 $0xFFFFFC00  }
0xf1: {  	v4 =	vld @!p2 [tilespmem:s0+$0x0]  }
0xf2: {  	v3 =	vld.idx.msk @!p2 [tilespmem:v3+s8+$0x0], $0xffff;
	_ =	sdelay $0x1  }
0xf3: {  	s30 =	sadd.s32 $0xFFFFFFFF, s30  }
0xf4: {  	p3 =	sne.s32 s30, $0x0  }
.Ltmp8:
0xf5: {  	_ = 	snop;
	(pc) =	sbr.rel @p3 .LBB2_7-.Ltmp8, $4  }
0xf6: {  	s29 =	sadd.s32 $0x20, s29;
	s28 =	sadd.s32 $0x10, s28;
	s1 =	simm.s32 @!p2 $0x1AD00;
	[tilespmem:$0x1AD00] =	vst @!p2 v4;
	v3 =	vnsel @!p2 vm0, $0x0, v3  }
0xf7: {  	s4 =	simm.s32 @!p2 $0x4;
	s0 =	simm.s32 @!p2 $0x10;
	s8 =	simm.s32 @!p2 $0x1AD80;
	[tilespmem:$0x1AD80] =	vst @!p2 v3  }
0xf8: {  	[spmem:s5] =	stream.indirect.scatter.add.f32 @!p2 [tilespmem:s8], [sflag:$0x4], $0x1, s1, s0, $0xb8;
	[tilespmem:$0x1C670] =	vst v63  }
0xf9: {  	s31 =	sand.u32 $0x70, s28;
	s0 =	sand.u32 $0xFF00, s29;
	_ =	swait.ge @!p2 [sflag:s4], $0x10  }
.Ltmp9:
0xfa: {  	_ = 	snop;
	(pc) =	sbr.rel .LBB2_8-.Ltmp9, $1  }
0xfb: {  	_ =	sdelay $0x3  }
.LBB2_10:
0xfc: {  	p2 =	sgt.u32 s23, $0x3C  }
0xfd: {  	s23 =	sor.u32 $0x20, s23;
	s0 =	simm.s32 @!p2 $0x0;
	s1 =	simm.s32 @!p2 $0x80  }
0xfe: {  	[tilespmem:s1], [sflag:$0x1] =	stream.linear.gather @!p2 [hbm4b:s11+s0], $0xC800, $0x38;
	[tilespmem:$0x1C670] =	vst v63  }
0xff: {  	p2 =	sgt.u32 s23, $0x7C  }
.Ltmp10:
0x100: {  	_ = 	snop;
	(pc) =	sbr.rel @p2 .LBB2_18-.Ltmp10, $1  }
0x101: {  	_ =	sdelay $0x3  }
.Ltmp11:
0x102: {  	(pc) =	sbr.rel .LBB2_12-.Ltmp11, $4  }
0x103: {  	_ = 	snop  }
0x104: {  	_ =	swait.ge [sflag:s20], $0xC800;
	s0 =	smul.u32 $0x6400, s22  }
0x105: {  	s24 =	simm.s32 $0x0;
	s25 =	simm.s32 $0x0;
	[sflag:s20] =	ssyncset.done $0x0  }
0x106: {  	s26 =	simm.s32 $0x0;
	[sflag:s20] =	ssyncadd.s32 $0xFFFF3800;
	s22 =	sadd.s32 s0, s15  }
.LBB2_15:
0x107: {  	s0 =	sor.u32 s30, s31;
	[sflag:s4] =	ssyncadd.s32 @!p2 $0xFFFFFFF0  }
0x108: {  	v3 =	vld [tilespmem:s0+$0xC900];
	_ =	sdelay $0x4  }
0x109: {  	vm0 =	veq.s32 v3, v2  }
0x10a: {  	v4 =	vsel vm0, $0x1, v1  }
0x10b: {  	(xrf0) =	vadd.scan.msk.s32 $0xffff, v4;
	_ =	sdelay $0x5  }
0x10c: {  	v4, _, _ =	vpop (xrf0)  }
0x10d: {  	(v2sf) =	vpush v4, $0xF;
	_ =	sdelay $0xe  }
0x10e: {  	s1 =	spop (v2sf)  }
0x10f: {  	p2 =	slt.s32 s1, $0x1  }
0x110: {  	s1 =	sadd.s32 @!p2 s28, s22  }
0x111: {  	s4 =	sshrl.u32 @!p2 s1, $0xA  }
0x112: {  	s1 =	sshrl.u32 @!p2 s1, $0x7;
	s8 =	sshll.u32 @!p2 s4, $0x3  }
0x113: {  	s17 =	simm.s32 @!p2 $0x19080;
	s4 =	sshll.u32 @!p2 s4, $0x7;
	s1 =	ssub.s32 @!p2 s1, s8  }
0x114: {  	s4 =	sadd.s32 @!p2 s3, s4;
	s8 =	simm.s32 @!p2 $0x0;
	s1 =	sshll.u32 @!p2 s1, $0x7  }
0x115: {  	[tilespmem:s17], [sflag:$0x3] =	stream.linear.gather @!p2 [hbm4b:s4+s8], $0x400, $0x38;
	[tilespmem:$0x1C670] =	vst v63  }
0x116: {  	v4 =	vlaneseq.u32 @!p2;
	s1 =	sor.u32 @!p2 s30, s1  }
0x117: {  	v4 =	vor.u32 @!p2 s1, v4;
	s1 =	simm.s32 @!p2 $0x3  }
0x118: {  	_ =	swait.ge @!p2 [sflag:s1], $0x400  }
0x119: {  	[sflag:s1] =	ssyncset.done @!p2 $0x0  }
0x11a: {  	[sflag:s1] =	ssyncadd.s32 @!p2 $0xFFFFFC00  }
0x11b: {  	v5 =	vld @!p2 [tilespmem:s0+$0xC880]  }
0x11c: {  	v4 =	vld.idx.msk @!p2 [tilespmem:v4+s17+$0x0], $0xffff;
	_ =	sdelay $0x3  }
0x11d: {  	vm0 =	veq.s32 @!p2 v3, v2  }
0x11e: {  	s4 =	simm.s32 @!p2 $0x1AD00;
	[tilespmem:$0x1AD00] =	vst @!p2 v5;
	v3 =	vnsel @!p2 vm0, $0x0, v4  }
0x11f: {  	s8 =	simm.s32 @!p2 $0x1AD80;
	s1 =	simm.s32 @!p2 $0x10;
	s0 =	simm.s32 @!p2 $0x4;
	[tilespmem:$0x1AD80] =	vst @!p2 v3  }
0x120: {  	[spmem:s5] =	stream.indirect.scatter.add.f32 @!p2 [tilespmem:s8], [sflag:$0x4], $0x1, s4, s1, $0xb8;
	[tilespmem:$0x1C670] =	vst v63  }
0x121: {  	_ =	swait.ge @!p2 [sflag:s0], $0x10  }
0x122: {  	[sflag:s0] =	ssyncset.done @!p2 $0x0  }
0x123: {  	[sflag:s0] =	ssyncadd.s32 @!p2 $0xFFFFFFF0  }
.LBB2_16:
0x124: {  	s26 =	sadd.s32 $0x1, s26  }
0x125: {  	p2 =	sne.s32 s26, $0x32  }
.Ltmp12:
0x126: {  	_ = 	snop;
	(pc) =	sbr.rel @!p2 .LBB2_17-.Ltmp12, $2  }
0x127: {  	_ =	sdelay $0x2  }
0x128: {  	s25 =	sadd.s32 $0x400, s25;
	s22 =	sadd.s32 $0x200, s22  }
.LBB2_12:
0x129: {  	s0 =	sshll.u32 s26, $0xA  }
0x12a: {  	s0 =	sand.u32 $0x3FFFFC00, s0  }
0x12b: {  	v3 =	vld [tilespmem:s0+$0xC900]  }
0x12c: {  	v4 =	vld [tilespmem:s0+$0xC910]  }
0x12d: {  	v5 =	vld [tilespmem:s0+$0xC920]  }
0x12e: {  	v6 =	vld [tilespmem:s0+$0xC930]  }
0x12f: {  	v7 =	vld [tilespmem:s0+$0xC940]  }
0x130: {  	v8 =	vld [tilespmem:s0+$0xC950]  }
0x131: {  	vm0 =	veq.s32 v3, v2;
	vm1 =	veq.s32 v4, v2;
	v3 =	vld [tilespmem:s0+$0xC960]  }
0x132: {  	v44 =	vld [tilespmem:s0+$0xC970];
	vm10 =	veq.s32 v5, v2;
	vm0 =	vmor vm0, vm1  }
0x133: {  	v45 =	vld [tilespmem:s0+$0xCA00];
	vm11 =	veq.s32 v6, v2;
	vm0 =	vmor vm0, vm10  }
0x134: {  	v46 =	vld [tilespmem:s0+$0xCA10];
	vm12 =	veq.s32 v7, v2;
	vm0 =	vmor vm0, vm11  }
0x135: {  	v47 =	vld [tilespmem:s0+$0xCA20];
	vm13 =	veq.s32 v8, v2;
	vm0 =	vmor vm0, vm12  }
0x136: {  	vm0 =	vmor vm0, vm13;
	vm14 =	veq.s32 v3, v2;
	v3 =	vld [tilespmem:s0+$0xCA30]  }
0x137: {  	v48 =	vld [tilespmem:s0+$0xCA40];
	vm15 =	veq.s32 v44, v2;
	vm0 =	vmor vm0, vm14  }
0x138: {  	v49 =	vld [tilespmem:s0+$0xCA50];
	vm4 =	veq.s32 v45, v2;
	vm0 =	vmor vm0, vm15  }
0x139: {  	v50 =	vld [tilespmem:s0+$0xCA60];
	vm5 =	veq.s32 v46, v2;
	vm0 =	vmor vm0, vm4  }
0x13a: {  	v51 =	vld [tilespmem:s0+$0xCA70];
	vm6 =	veq.s32 v47, v2;
	vm0 =	vmor vm0, vm5  }
0x13b: {  	vm0 =	vmor vm0, vm6;
	vm7 =	veq.s32 v3, v2;
	v3 =	vld [tilespmem:s0+$0xCB00]  }
0x13c: {  	v52 =	vld [tilespmem:s0+$0xCB10];
	vm8 =	veq.s32 v48, v2;
	vm0 =	vmor vm0, vm7  }
0x13d: {  	v53 =	vld [tilespmem:s0+$0xCB20];
	vm9 =	veq.s32 v49, v2;
	vm0 =	vmor vm0, vm8  }
0x13e: {  	v54 =	vld [tilespmem:s0+$0xCB30];
	vm10 =	veq.s32 v50, v2;
	vm0 =	vmor vm0, vm9  }
0x13f: {  	v55 =	vld [tilespmem:s0+$0xCB40];
	vm11 =	veq.s32 v51, v2;
	vm0 =	vmor vm0, vm10  }
0x140: {  	vm0 =	vmor vm0, vm11;
	vm12 =	veq.s32 v3, v2;
	v3 =	vld [tilespmem:s0+$0xCB50]  }
0x141: {  	v56 =	vld [tilespmem:s0+$0xCB60];
	vm13 =	veq.s32 v52, v2;
	vm0 =	vmor vm0, vm12  }
0x142: {  	v57 =	vld [tilespmem:s0+$0xCB70];
	vm14 =	veq.s32 v53, v2;
	vm0 =	vmor vm0, vm13  }
0x143: {  	v58 =	vld [tilespmem:s0+$0xCC00];
	vm15 =	veq.s32 v54, v2;
	vm0 =	vmor vm0, vm14  }
0x144: {  	v59 =	vld [tilespmem:s0+$0xCC10];
	vm4 =	veq.s32 v55, v2;
	vm0 =	vmor vm0, vm15  }
0x145: {  	vm0 =	vmor vm0, vm4;
	vm5 =	veq.s32 v3, v2;
	v3 =	vld [tilespmem:s0+$0xCC20]  }
0x146: {  	v60 =	vld [tilespmem:s0+$0xCC30];
	vm6 =	veq.s32 v56, v2;
	vm0 =	vmor vm0, vm5  }
0x147: {  	v61 =	vld [tilespmem:s0+$0xCC40];
	vm7 =	veq.s32 v57, v2;
	vm0 =	vmor vm0, vm6  }
0x148: {  	v62 =	vld [tilespmem:s0+$0xCC50];
	vm8 =	veq.s32 v58, v2;
	vm0 =	vmor vm0, vm7  }
0x149: {  	v63 =	vld [tilespmem:s0+$0xCC60];
	vm9 =	veq.s32 v59, v2;
	vm0 =	vmor vm0, vm8  }
0x14a: {  	vm0 =	vmor vm0, vm9;
	vm10 =	veq.s32 v3, v2;
	v3 =	vld [tilespmem:s0+$0xCC70]  }
0x14b: {  	vm11 =	veq.s32 v60, v2;
	vm0 =	vmor vm0, vm10  }
0x14c: {  	vm12 =	veq.s32 v61, v2;
	vm0 =	vmor vm0, vm11  }
0x14d: {  	vm13 =	veq.s32 v62, v2;
	vm0 =	vmor vm0, vm12  }
0x14e: {  	vm14 =	veq.s32 v63, v2;
	vm0 =	vmor vm0, vm13  }
0x14f: {  	vm0 =	vmor vm0, vm14;
	vm15 =	veq.s32 v3, v2  }
0x150: {  	vm0 =	vmor vm0, vm15  }
0x151: {  	v3 =	vsel vm0, $0x1, v1  }
0x152: {  	(xrf0) =	vadd.scan.msk.s32 $0xffff, v3;
	_ =	sdelay $0x5  }
0x153: {  	v3, _, _ =	vpop (xrf0)  }
0x154: {  	(v2sf) =	vpush v3, $0xF;
	_ =	sdelay $0xe  }
0x155: {  	s31 =	spop (v2sf)  }
0x156: {  	p2 =	slt.s32 s31, $0x1  }
.Ltmp13:
0x157: {  	_ = 	snop;
	(pc) =	sbr.rel @p2 .LBB2_16-.Ltmp13, $1  }
0x158: {  	_ =	sdelay $0x3  }
0x159: {  	s0 =	sand.u32 $0x70, s24;
	s1 =	sand.u32 $0xFF00, s25  }
0x15a: {  	s1 =	sor.u32 s0, s1  }
0x15b: {  	v3 =	vld [tilespmem:s1+$0xC900];
	_ =	sdelay $0x4  }
0x15c: {  	vm0 =	veq.s32 v3, v2  }
0x15d: {  	v4 =	vsel vm0, $0x1, v1  }
0x15e: {  	(xrf0) =	vadd.scan.msk.s32 $0xffff, v4;
	_ =	sdelay $0x5  }
0x15f: {  	v4, _, _ =	vpop (xrf0)  }
0x160: {  	(v2sf) =	vpush v4, $0xF;
	_ =	sdelay $0xe  }
0x161: {  	s4 =	spop (v2sf)  }
0x162: {  	p2 =	slt.s32 s4, $0x1  }
0x163: {  	s4 =	sadd.s32 @!p2 $0x0, s22  }
0x164: {  	s8 =	sshrl.u32 @!p2 s4, $0xA  }
0x165: {  	s4 =	sshrl.u32 @!p2 s4, $0x7;
	s17 =	sshll.u32 @!p2 s8, $0x3  }
0x166: {  	s18 =	simm.s32 @!p2 $0x19080;
	s8 =	sshll.u32 @!p2 s8, $0x7;
	s4 =	ssub.s32 @!p2 s4, s17  }
0x167: {  	s8 =	sadd.s32 @!p2 s3, s8;
	s17 =	simm.s32 @!p2 $0x0;
	s4 =	sshll.u32 @!p2 s4, $0x7  }
0x168: {  	[tilespmem:s18], [sflag:$0x3] =	stream.linear.gather @!p2 [hbm4b:s8+s17], $0x400, $0x38;
	[tilespmem:$0x1C670] =	vst v63  }
0x169: {  	v4 =	vlaneseq.u32 @!p2;
	s0 =	sor.u32 @!p2 s0, s4  }
0x16a: {  	v4 =	vor.u32 @!p2 s0, v4;
	s0 =	simm.s32 @!p2 $0x3  }
0x16b: {  	_ =	swait.ge @!p2 [sflag:s0], $0x400  }
0x16c: {  	[sflag:s0] =	ssyncset.done @!p2 $0x0  }
0x16d: {  	[sflag:s0] =	ssyncadd.s32 @!p2 $0xFFFFFC00  }
0x16e: {  	v5 =	vld @!p2 [tilespmem:s1+$0xC880]  }
0x16f: {  	v4 =	vld.idx.msk @!p2 [tilespmem:v4+s18+$0x0], $0xffff;
	_ =	sdelay $0x3  }
0x170: {  	vm0 =	veq.s32 @!p2 v3, v2  }
0x171: {  	s28 =	simm.s32 $0x10;
	s8 =	simm.s32 @!p2 $0x1AD80;
	[tilespmem:$0x1AD00] =	vst @!p2 v5;
	v3 =	vnsel @!p2 vm0, $0x0, v4  }
0x172: {  	s4 =	simm.s32 @!p2 $0x4;
	s0 =	simm.s32 @!p2 $0x10;
	s1 =	simm.s32 @!p2 $0x1AD00;
	[tilespmem:$0x1AD80] =	vst @!p2 v3  }
0x173: {  	[spmem:s5] =	stream.indirect.scatter.add.f32 @!p2 [tilespmem:s8], [sflag:$0x4], $0x1, s1, s0, $0xb8;
	[tilespmem:$0x1C670] =	vst v63  }
0x174: {  	s29 =	simm.s32 $0x20;
	s0 =	sadd.s32 $0x20, s25;
	_ =	swait.ge @!p2 [sflag:s4], $0x10  }
0x175: {  	s30 =	sand.u32 $0x70, s28;
	s31 =	sand.u32 $0xFF00, s0;
	[sflag:s4] =	ssyncset.done @!p2 $0x0  }
.LBB2_14:
0x176: {  	s31 =	sor.u32 s30, s31  }
0x177: {  	[sflag:s4] =	ssyncadd.s32 @!p2 $0xFFFFFFF0;
	s1 =	smov.u32 s29;
	s29 =	sadd.s32 $0x10, s29  }
0x178: {  	p3 =	sne.s32 s29, $0x200;
	v3 =	vld [tilespmem:s31+$0xC900];
	_ =	sdelay $0x4  }
0x179: {  	vm0 =	veq.s32 v3, v2  }
0x17a: {  	v4 =	vsel vm0, $0x1, v1  }
0x17b: {  	(xrf0) =	vadd.scan.msk.s32 $0xffff, v4;
	_ =	sdelay $0x5  }
0x17c: {  	v4, _, _ =	vpop (xrf0)  }
0x17d: {  	(v2sf) =	vpush v4, $0xF;
	_ =	sdelay $0xe  }
0x17e: {  	s4 =	spop (v2sf)  }
0x17f: {  	p2 =	slt.s32 s4, $0x1  }
0x180: {  	s4 =	sadd.s32 @!p2 s28, s22;
	s28 =	smov.u32 s1  }
0x181: {  	s1 =	sshrl.u32 @!p2 s4, $0xA  }
0x182: {  	s4 =	sshrl.u32 @!p2 s4, $0x7;
	s8 =	sshll.u32 @!p2 s1, $0x3;
	s1 =	sshll.u32 @!p2 s1, $0x7  }
0x183: {  	s1 =	sadd.s32 @!p2 s3, s1;
	s4 =	ssub.s32 @!p2 s4, s8  }
0x184: {  	s4 =	sshll.u32 @!p2 s4, $0x7  }
0x185: {  	s17 =	simm.s32 @!p2 $0x19080;
	v4 =	vlaneseq.u32 @!p2;
	s8 =	simm.s32 @!p2 $0x0;
	s4 =	sor.u32 @!p2 s30, s4  }
0x186: {  	[tilespmem:s17], [sflag:$0x3] =	stream.linear.gather @!p2 [hbm4b:s1+s8], $0x400, $0x38;
	v4 =	vor.u32 @!p2 s4, v4;
	[tilespmem:$0x1C670] =	vst v63  }
0x187: {  	s1 =	simm.s32 @!p2 $0x3  }
0x188: {  	_ =	swait.ge @!p2 [sflag:s1], $0x400  }
0x189: {  	[sflag:s1] =	ssyncset.done @!p2 $0x0  }
0x18a: {  	[sflag:s1] =	ssyncadd.s32 @!p2 $0xFFFFFC00  }
0x18b: {  	v4 =	vld.idx.msk @!p2 [tilespmem:v4+s17+$0x0], $0xffff  }
0x18c: {  	v5 =	vld @!p2 [tilespmem:s31+$0xC880];
	_ =	sdelay $0x3  }
0x18d: {  	vm0 =	veq.s32 @!p2 v3, v2  }
.Ltmp14:
0x18e: {  	s4 =	simm.s32 @!p2 $0x4;
	v3 =	vnsel @!p2 vm0, $0x0, v4;
	[tilespmem:$0x1AD00] =	vst @!p2 v5;
	(pc) =	sbr.rel @p3 .LBB2_14-.Ltmp14, $4  }
0x18f: {  	s8 =	simm.s32 @!p2 $0x1AD00;
	s1 =	simm.s32 @!p2 $0x10;
	s17 =	simm.s32 @!p2 $0x1AD80;
	[tilespmem:$0x1AD80] =	vst @!p2 v3  }
0x190: {  	[spmem:s5] =	stream.indirect.scatter.add.f32 @!p2 [tilespmem:s17], [sflag:$0x4], $0x1, s8, s1, $0xb8;
	[tilespmem:$0x1C670] =	vst v63  }
0x191: {  	s0 =	sadd.s32 $0x20, s0;
	_ =	swait.ge @!p2 [sflag:s4], $0x10  }
0x192: {  	s30 =	sand.u32 $0x70, s28;
	s31 =	sand.u32 $0xFF00, s0;
	[sflag:s4] =	ssyncset.done @!p2 $0x0  }
.Ltmp15:
0x193: {  	_ = 	snop;
	(pc) =	sbr.rel .LBB2_15-.Ltmp15, $1  }
0x194: {  	_ =	sdelay $0x3  }
.LBB2_20:
0x195: {  	_ =	sfence.sel $0x180000  }
0x196: {  	[bflag:$0x0] =	sbarrier.arrive $0xFFFF  }
0x197: {  	_ =	strace $0x90000047  }
0x198: {  	s0 =	stileid.u32;
	[bflag:$0x2] =	sbarrier.arrive $0xFFFF  }
0x199: {  	p0 =	sne.s32 s0, $0x0;
	s0 =	rddreg [dreg:$0x5]  }
0x19a: {  	s0 =	sadd.s32 @!p0 $0x100000, s0  }
0x19b: {  	[sflag:s0] =	ssyncadd.tile.s32 @!p0 $0x1;
	_ =	shalt  }
.Lfunc_end2:
_tile_overlayer_lowered:
.L_overlay_start_2:
0x19c: {  	(tag) =	ssettag $0x2  }
0x19d: {  	s0 =	rddreg [dreg:$0x0];
	s2 =	stileid.u32  }
0x19e: {  	s1 =	rddreg [dreg:$0x1];
	p0 =	sne.s32 s2, $0x0  }
0x19f: {  	s3 =	rddreg [dreg:$0x2];
	[bflag:$0x3] =	sbarrier.arrive $0xFFFF;
	s2 =	simm.s32 @!p0 $0x1C04  }
0x1a0: {  	[timem:s3], [sflag:s2] =	dma.local @!p0 [hbm:s0], s1  }
0x1a1: {  	s0 =	simm.s32 @!p0 $0x4  }
0x1a2: {  	_ =	swait.ge @!p0 [sflag:s0], s1  }
0x1a3: {  	s1 =	ssub.s32 @!p0 $0x0, s1;
	[sflag:s0] =	ssyncset.done @!p0 $0x0  }
0x1a4: {  	[sflag:s0] =	ssyncadd.s32 @!p0 s1  }
0x1a5: {  	[bflag:$0x3] =	sbarrier.arrive $0xFFFF  }
0x1a6: {  	_ =	shalt  }

</sc_bundles>
